<compile_context>
chip_gen: v7x
topology: tpu7x:2x2x1
jax: 0.10.2.dev20260603
libtpu: 0.0.44.dev20260713+nightly
codegen_flags: <defaults>
</compile_context>

<pallas_src>
import functools

import jax
import jax.numpy as jnp
from jax import lax
from jax.experimental import pallas as pl
from jax.experimental.pallas import tpu as pltpu
from jax.experimental.pallas import tpu_sc as plsc

_SC_CORES = 2
_SC_SUBCORES = 16
_GATHER_CHUNK = 128


def _pack_bf16_pairs(x):
    c = x.shape[1]
    bits = lax.bitcast_convert_type(x, jnp.uint32)
    rne = (bits + jnp.uint32(0x7FFF) + ((bits >> 16) & jnp.uint32(1))) >> 16
    return (rne[:, c // 2:] << 16) | rne[:, : c // 2]


def _unpack_bf16_pairs(w):
    lo = lax.bitcast_convert_type(w << 16, jnp.float32)
    hi = lax.bitcast_convert_type(w & jnp.uint32(0xFFFF0000), jnp.float32)
    return jnp.concatenate([lo, hi], axis=1)


def _dense_pre_body(ts_ref, len_ref, q_ref, m_ref, e_ref, temb_ref,
                    w_ref, bias_ref, a_ref, xt_ref, xs_ref,
                    out_ref, em1_ref, qt_ref, mt_ref):
    bidx = pl.program_id(0)
    H, C = xt_ref.shape[1], q_ref.shape[1]

    tq = q_ref[0].T
    tm = m_ref[0].T
    qt_ref[...] = _pack_bf16_pairs(tq)
    mt_ref[...] = _pack_bf16_pairs(tm)
    lv = len_ref[bidx]
    lf = lv.astype(jnp.float32)

    xt = xt_ref[bidx, :].reshape(H, 1)
    xs = xs_ref[bidx, :].reshape(H, 1)
    bf16 = jnp.bfloat16
    lane = lax.broadcasted_iota(jnp.int32, (H, C), 1)
    ohxt = (lane == xt).astype(bf16)
    ohxs = (lane == xs).astype(jnp.float32)

    emb = jnp.dot(ohxt, e_ref[...].astype(bf16),
                  preferred_element_type=jnp.float32)
    emb = emb + temb_ref[ts_ref[bidx], :][None, :]
    logits = (jnp.dot(emb.astype(bf16), w_ref[...].astype(bf16),
                      preferred_element_type=jnp.float32)
              + bias_ref[...][None, :])

    m = jnp.max(logits, axis=1, keepdims=True)
    ex = jnp.exp(logits - m)
    ssum = jnp.sum(ex, axis=1, keepdims=True)
    probs = ex / ssum

    lse = m + jnp.log(ssum)
    nll = -jnp.sum(ohxs * (logits - lse), axis=1, keepdims=True)
    pos = lax.broadcasted_iota(jnp.int32, (H, 1), 0)
    maskf = (pos < lv).astype(jnp.float32)
    ce_b = jnp.sum(nll * maskf) / lf

    em1 = lax.dot_general(probs.astype(bf16), tm.astype(bf16),
                          (((1,), (0,)), ((), ())),
                          preferred_element_type=jnp.float32)
    em1_ref[...] = _pack_bf16_pairs(em1)

    logp = jnp.log(probs + 1e-6)
    alogp = lax.dot_general(logp.astype(bf16), a_ref[...].astype(bf16),
                            (((1,), (1,)), ((), ())),
                            preferred_element_type=jnp.float32)
    pm = (pos[: H - 1] < lv - 1).astype(jnp.float32)
    q1 = jnp.sum(alogp[1:, :] * probs[: H - 1, :], axis=1, keepdims=True)
    q2 = jnp.sum(alogp[: H - 1, :] * probs[1:, :], axis=1, keepdims=True)
    t12 = (jnp.sum(q1 * pm) + jnp.sum(q2 * pm)) / ((lf - 1.0) * jnp.float32(C))

    lane_o = lax.broadcasted_iota(jnp.int32, (1, 1, 128), 2)
    out_ref[...] = jnp.where(
        lane_o == 1, ce_b, jnp.where(lane_o == 2, t12, 0.0))


_KL_SPLIT = 1


def _dense_kl_body(len_ref, etxt_ref, mtm1_ref, em1_ref, out_ref):
    gidx = pl.program_id(0)
    Hc = etxt_ref.shape[0]
    lv = len_ref[gidx // _KL_SPLIT]
    lf = lv.astype(jnp.float32)
    feps = jnp.float32(1.1920929e-07)

    etxt = _unpack_bf16_pairs(etxt_ref[...])
    pred_unorm = etxt * _unpack_bf16_pairs(em1_ref[...])
    s = jnp.maximum(jnp.sum(pred_unorm, axis=1, keepdims=True), 1e-8)
    pred_probs = jnp.clip(pred_unorm / s, feps, 1.0 - feps)

    true_unorm = etxt * _unpack_bf16_pairs(mtm1_ref[...])
    tp = true_unorm / jnp.sum(true_unorm, axis=1, keepdims=True)
    tp = jnp.clip(tp, feps, 1.0 - feps)
    kl_el = tp * (jnp.log(tp / pred_probs) - 1e-6)
    pos = (lax.broadcasted_iota(jnp.int32, (Hc, 1), 0)
           + (gidx % _KL_SPLIT) * Hc)
    maskf = (pos < lv).astype(jnp.float32)
    kl_b = jnp.sum(jnp.sum(kl_el, axis=1, keepdims=True) * maskf) / lf

    lane_o = lax.broadcasted_iota(jnp.int32, (1, 1, 128), 2)
    out_ref[...] = jnp.where(lane_o == 0, kl_b, 0.0)


@functools.lru_cache(maxsize=None)
def _make_sc_gather(B, H, C, rowspan):
    tok = B * H
    n_workers = _SC_CORES * _SC_SUBCORES
    per_w = tok // n_workers
    mesh = plsc.VectorSubcoreMesh(core_axis_name="c", subcore_axis_name="s")

    ch = _GATHER_CHUNK

    @functools.partial(
        pl.kernel,
        mesh=mesh,
        out_type=[jax.ShapeDtypeStruct((tok, C), jnp.uint32)] * 2,
        scratch_types=[
            pltpu.VMEM((per_w,), jnp.int32),
            pltpu.VMEM((per_w,), jnp.int32),
            pltpu.VMEM((ch, C), jnp.uint32),
            pltpu.VMEM((ch, C), jnp.uint32),
            pltpu.SemaphoreType.DMA,
            pltpu.SemaphoreType.DMA,
            pltpu.SemaphoreType.DMA,
            pltpu.SemaphoreType.DMA,
        ],
    )
    def gather_k(qt_hbm, mt_hbm, idxq_hbm, idxm_hbm, out_q, out_m,
                 idxq_v, idxm_v, rows0, rows1, g0, g1, w0, w1):
        wid = lax.axis_index("s") * _SC_CORES + lax.axis_index("c")
        base = wid * per_w
        bat = base // H
        col = base % H
        pltpu.sync_copy(idxq_hbm.at[bat, pl.ds(col, per_w)], idxq_v)
        pltpu.sync_copy(idxm_hbm.at[bat, pl.ds(col, per_w)], idxm_v)
        rowoff = bat * rowspan
        for j in range(0, per_w, 16):
            sl = pl.ds(j, 16)
            idxq_v[sl] = idxq_v[sl] + rowoff
            idxm_v[sl] = idxm_v[sl] + rowoff
        tasks = ([(qt_hbm, idxq_v, out_q, off)
                  for off in range(0, per_w, ch)]
                 + [(mt_hbm, idxm_v, out_m, off)
                    for off in range(0, per_w, ch)])
        bufs, gsems, wsems = (rows0, rows1), (g0, g1), (w0, w1)
        whandles = [None, None]
        for k, (tbl, idx_v, out_hbm, off) in enumerate(tasks):
            bi = k & 1
            if whandles[bi] is not None:
                whandles[bi].wait()
            gh = pltpu.async_copy(tbl.at[idx_v.at[pl.ds(off, ch)]],
                                  bufs[bi], gsems[bi])
            gh.wait()
            whandles[bi] = pltpu.async_copy(
                bufs[bi], out_hbm.at[pl.ds(base + off, ch)], wsems[bi])
        whandles[0].wait()
        whandles[1].wait()

    return gather_k


def kernel(matrices, Q, A, E, Temb, W, b, xs_padded, xt_padded, lengths, ts):
    B, H = xt_padded.shape
    C = Q.shape[1]
    D = E.shape[1]
    ts32 = ts.astype(jnp.int32)
    len32 = lengths.astype(jnp.int32)
    xt32 = xt_padded.astype(jnp.int32)
    xs32 = xs_padded.astype(jnp.int32)

    parts1, em1p, QT, MT = pl.pallas_call(
        _dense_pre_body,
        grid_spec=pltpu.PrefetchScalarGridSpec(
            num_scalar_prefetch=2,
            grid=(B,),
            in_specs=[
                pl.BlockSpec((1, C, C), lambda i, ts_r, ln: (ts_r[i], 0, 0)),
                pl.BlockSpec((1, C, C),
                             lambda i, ts_r, ln: (ts_r[i] - 1, 0, 0)),
                pl.BlockSpec((C, D), lambda i, ts_r, ln: (0, 0)),
                pl.BlockSpec(Temb.shape, lambda i, ts_r, ln: (0, 0)),
                pl.BlockSpec((D, C), lambda i, ts_r, ln: (0, 0)),
                pl.BlockSpec(b.shape, lambda i, ts_r, ln: (0,)),
                pl.BlockSpec((C, C), lambda i, ts_r, ln: (0, 0)),
                pl.BlockSpec((B, H), lambda i, ts_r, ln: (0, 0)),
                pl.BlockSpec((B, H), lambda i, ts_r, ln: (0, 0)),
            ],
            out_specs=[
                pl.BlockSpec((1, 1, 128), lambda i, ts_r, ln: (i, 0, 0)),
                pl.BlockSpec((H, C // 2), lambda i, ts_r, ln: (i, 0)),
                pl.BlockSpec((C, C // 2), lambda i, ts_r, ln: (i, 0)),
                pl.BlockSpec((C, C // 2), lambda i, ts_r, ln: (i, 0)),
            ],
        ),
        out_shape=[
            jax.ShapeDtypeStruct((B, 1, 128), jnp.float32),
            jax.ShapeDtypeStruct((B * H, C // 2), jnp.uint32),
            jax.ShapeDtypeStruct((B * C, C // 2), jnp.uint32),
            jax.ShapeDtypeStruct((B * C, C // 2), jnp.uint32),
        ],
    )(ts32, len32, Q, matrices, E, Temb, W, b, A, xt32, xs32)

    EtXt, Mtm1 = _make_sc_gather(B, H, C // 2, C)(QT, MT, xt32, xs32)

    ks = _KL_SPLIT
    parts2 = pl.pallas_call(
        _dense_kl_body,
        grid_spec=pltpu.PrefetchScalarGridSpec(
            num_scalar_prefetch=1,
            grid=(B * ks,),
            in_specs=[
                pl.BlockSpec((H // ks, C // 2), lambda i, ln: (i, 0)),
                pl.BlockSpec((H // ks, C // 2), lambda i, ln: (i, 0)),
                pl.BlockSpec((H // ks, C // 2), lambda i, ln: (i, 0)),
            ],
            out_specs=pl.BlockSpec((1, 1, 128), lambda i, ln: (i, 0, 0)),
        ),
        out_shape=jax.ShapeDtypeStruct((B * ks, 1, 128), jnp.float32),
    )(len32, EtXt, Mtm1, em1p)

    kl_loss = jnp.sum(parts2[:, 0, 0])
    ce_loss = jnp.sum(parts1[:, 0, 1])
    con_loss = -jnp.sum(parts1[:, 0, 2]) / jnp.float32(B)
    return (kl_loss, ce_loss, con_loss * 100.0)

# --- scband reference (transcript-rebuilt; emitter-appended) ---
"""Pipeline reference for scband-restorer-66340064854390 (READ-ONLY COPY).

The authoritative reference and input builder live on the scoring server;
editing this copy changes nothing except your own understanding.
"""

import jax, jax.numpy as jnp
import numpy as np

N_VERTEX = 512
MAX_T = 50
D_MODEL = 256
B = 16
H = 512


def setup_inputs(seed: int = 0) -> dict:
    key = jax.random.key(seed)
    ks = jax.random.split(key, 12)
    xs_padded = jax.random.randint(ks[0], (B, H), 0, N_VERTEX)
    xt_padded = jax.random.randint(ks[1], (B, H), 0, N_VERTEX)
    lengths = jax.random.randint(ks[2], (B,), H // 2, H + 1)
    ts = jax.random.randint(ks[3], (B,), 1, MAX_T + 1)
    # Precomputed (buffer) diffusion transition tensors: column-stochastic like matrix_exp products
    matrices = jax.nn.softmax(jax.random.normal(ks[4], (MAX_T + 1, N_VERTEX, N_VERTEX), dtype=jnp.float32), axis=1)
    Q = jax.nn.softmax(jax.random.normal(ks[5], (MAX_T + 1, N_VERTEX, N_VERTEX), dtype=jnp.float32), axis=1)
    A = (jax.random.uniform(ks[6], (N_VERTEX, N_VERTEX)) < 0.05).astype(jnp.float32)
    A = jnp.maximum(A, A.T)
    # eps_model (EPSM surrogate) parameters: token embed + time embed + output proj
    E = jax.random.normal(ks[7], (N_VERTEX, D_MODEL), dtype=jnp.float32) * 0.02
    Temb = jax.random.normal(ks[8], (MAX_T + 1, D_MODEL), dtype=jnp.float32) * 0.02
    W = jax.random.normal(ks[9], (D_MODEL, N_VERTEX), dtype=jnp.float32) * 0.02
    b = jnp.zeros((N_VERTEX,), dtype=jnp.float32)
    return {"matrices": matrices, "Q": Q, "A": A, "E": E, "Temb": Temb, "W": W, "b": b,
            "xs_padded": xs_padded, "xt_padded": xt_padded, "lengths": lengths, "ts": ts}


def reference(matrices, Q, A, E, Temb, W, b, xs_padded, xt_padded, lengths, ts):
    Bn, Hn = xt_padded.shape
    C = matrices.shape[1]
    ts_flat = jnp.repeat(ts, Hn)
    xt_flat = xt_padded.reshape(-1)
    xs_flat = xs_padded.reshape(-1)
    lengths_f = lengths.astype(jnp.float32)
    # EtXt = Q[ts, :, xt]  (gather columns)  -> (B*H, C)
    EtXt = Q[ts_flat, :, xt_flat]
    Mtm1 = matrices[ts_flat - 1, :, xs_flat]
    true_unorm = EtXt * Mtm1
    true_probs = true_unorm / true_unorm.sum(1, keepdims=True)
    feps = float(np.finfo(np.float32).eps)
    true_probs = jnp.clip(true_probs, feps, 1.0 - feps)  # clamp_probs
    true_probs = true_probs.reshape(Bn, Hn, C)
    # restore(): eps_model surrogate -> x0 prediction logits [B, H, C]
    emb = E[xt_padded] + Temb[ts][:, None, :]
    x0_pred_logits = emb @ W + b
    x0_pred_probs = jax.nn.softmax(x0_pred_logits, axis=-1)
    # Et-1_bar @ hat_x0  : batched matmul matrices[ts-1] @ probs^T
    Em1 = jnp.einsum('bij,bhj->bhi', matrices[ts - 1], x0_pred_probs).reshape(Bn * Hn, C)
    pred_unorm = EtXt * Em1
    s = jnp.clip(pred_unorm.sum(1, keepdims=True), 1e-08, None)
    pred_probs = pred_unorm / s
    pred_probs_c = jnp.clip(pred_probs, feps, 1.0 - feps)
    pred_logits = jnp.log(pred_probs_c).reshape(Bn, Hn, C)  # probs_to_logits
    pos = jnp.arange(Hn)
    mask = (pos[None, :] < lengths[:, None]).astype(jnp.float32)
    # KL loss: F.kl_div(pred_logits+1e-6, true_probs, reduction='batchmean') per sequence prefix
    kl_el = true_probs * (jnp.log(true_probs) - (pred_logits + 1e-06))
    kl_per = (kl_el.sum(-1) * mask).sum(-1) / lengths_f
    kl_loss = kl_per.sum()
    # CE loss: cross_entropy(x0_pred_logits+1e-6, xs) mean over valid positions, summed over batch
    logsm = jax.nn.log_softmax(x0_pred_logits + 1e-06, axis=-1)
    nll = -jnp.take_along_axis(logsm, xs_padded[..., None], axis=-1)[..., 0]
    ce_per = (nll * mask).sum(-1) / lengths_f
    ce_loss = ce_per.sum()
    # connectivity loss over adjacent position pairs
    logp = jnp.log(x0_pred_probs + 1e-06)
    Alogp = jnp.einsum('cv,bhv->bhc', A, logp)
    pair_mask = (pos[None, :-1] < (lengths[:, None] - 1)).astype(jnp.float32)
    denom = (lengths_f - 1.0) * C
    t1 = ((Alogp[:, 1:, :] * x0_pred_probs[:, :-1, :]).sum(-1) * pair_mask).sum(-1) / denom
    t2 = ((Alogp[:, :-1, :] * x0_pred_probs[:, 1:, :]).sum(-1) * pair_mask).sum(-1) / denom
    con_loss = -(t1.sum() + t2.sum()) / Bn
    return (kl_loss, ce_loss, con_loss * 100.0)

if __name__ == "__main__":
    import jax
    _d = setup_inputs()
    print(jax.jit(kernel)(*tuple(_d.values())))

</pallas_src>

<mosaic_0001>
#map = affine_map<(d0, d1) -> (0, 0)>
module attributes {stable_mosaic.version = 14 : i64} {
  func.func @gather_k(%arg0: i32, %arg1: i32, %arg2: memref<8192x256xi32, #tpu.memory_space<hbm>>, %arg3: memref<8192x256xi32, #tpu.memory_space<hbm>>, %arg4: memref<16x512xi32, #tpu.memory_space<hbm>>, %arg5: memref<16x512xi32, #tpu.memory_space<hbm>>, %arg6: memref<8192x256xi32, #tpu.memory_space<hbm>>, %arg7: memref<8192x256xi32, #tpu.memory_space<hbm>>, %arg8: memref<256xi32, #tpu.memory_space<vmem>>, %arg9: memref<256xi32, #tpu.memory_space<vmem>>, %arg10: memref<128x256xi32, #tpu.memory_space<vmem>>, %arg11: memref<128x256xi32, #tpu.memory_space<vmem>>, %arg12: memref<!tpu.dma_semaphore, #tpu.memory_space<semaphore_mem>>, %arg13: memref<!tpu.dma_semaphore, #tpu.memory_space<semaphore_mem>>, %arg14: memref<!tpu.dma_semaphore, #tpu.memory_space<semaphore_mem>>, %arg15: memref<!tpu.dma_semaphore, #tpu.memory_space<semaphore_mem>>) attributes {dimension_semantics = [#tpu.dimension_semantics<core_parallel>, #tpu.dimension_semantics<subcore_parallel>], iteration_bounds = array<i64: 2, 16>, scalar_prefetch = 0 : i64, scratch_operands = 8 : i64, tpu.core_type = #tpu.core_type<sc_vector_subcore>, window_params = [{transform_indices = #map}, {transform_indices = #map}, {transform_indices = #map}, {transform_indices = #map}, {transform_indices = #map}, {transform_indices = #map}]} {
    %mul3A = arith.constant 2 : i32
    %mul3A_0 = arith.muli %arg1, %mul3A : i32
    %add3A = arith.addi %mul3A_0, %arg0 : i32
    %mul3A_1 = arith.constant 256 : i32
    %mul3A_2 = arith.muli %add3A, %mul3A_1 : i32
    %jit3A = arith.constant 512 : i32
    %div3A = arith.divsi %mul3A_2, %jit3A : i32
    %sign3A = arith.constant 0 : i32
    %sign3A_3 = arith.cmpi sgt, %mul3A_2, %sign3A : i32
    %sign3A_4 = arith.extui %sign3A_3 : i1 to i32
    %sign3A_5 = arith.constant 0 : i32
    %sign3A_6 = arith.cmpi slt, %mul3A_2, %sign3A_5 : i32
    %sign3A_7 = arith.extui %sign3A_6 : i1 to i32
    %sign3A_8 = arith.subi %sign3A_4, %sign3A_7 : i32
    %sign3A_9 = arith.constant 0 : i32
    %sign3A_10 = arith.cmpi sgt, %jit3A, %sign3A_9 : i32
    %sign3A_11 = arith.extui %sign3A_10 : i1 to i32
    %sign3A_12 = arith.constant 0 : i32
    %sign3A_13 = arith.cmpi slt, %jit3A, %sign3A_12 : i32
    %sign3A_14 = arith.extui %sign3A_13 : i1 to i32
    %sign3A_15 = arith.subi %sign3A_11, %sign3A_14 : i32
    %ne3A = arith.cmpi ne, %sign3A_8, %sign3A_15 : i32
    %rem3A = arith.remsi %mul3A_2, %jit3A : i32
    %ne3A_16 = arith.constant 0 : i32
    %ne3A_17 = arith.cmpi ne, %rem3A, %ne3A_16 : i32
    %and3A = arith.andi %ne3A, %ne3A_17 : i1
    %sub3A = arith.constant 1 : i32
    %sub3A_18 = arith.subi %div3A, %sub3A : i32
    %select_n3A = arith.select %and3A, %sub3A_18, %div3A : i32
    %jit3A_19 = arith.constant 512 : i32
    %eq3A = arith.constant 0 : i32
    %eq3A_20 = arith.cmpi eq, %jit3A_19, %eq3A : i32
    %jit3A_21 = arith.constant 1 : i32
    %select_n3A_22 = arith.select %eq3A_20, %jit3A_21, %jit3A_19 : i32
    %rem3A_23 = arith.remsi %mul3A_2, %select_n3A_22 : i32
    %ne3A_24 = arith.constant 0 : i32
    %ne3A_25 = arith.cmpi ne, %rem3A_23, %ne3A_24 : i32
    %lt3A = arith.constant 0 : i32
    %lt3A_26 = arith.cmpi slt, %rem3A_23, %lt3A : i32
    %lt3A_27 = arith.constant 0 : i32
    %lt3A_28 = arith.cmpi slt, %select_n3A_22, %lt3A_27 : i32
    %ne3A_29 = arith.xori %lt3A_26, %lt3A_28 : i1
    %and3A_30 = arith.andi %ne3A_29, %ne3A_25 : i1
    %add3A_31 = arith.addi %rem3A_23, %select_n3A_22 : i32
    %select_n3A_32 = arith.select %and3A_30, %add3A_31, %rem3A_23 : i32
    "tpu.region"() ({
      %run_scoped3A = tpu.sem_alloc : memref<!tpu.dma_semaphore, #tpu.memory_space<semaphore_mem>>
      %dma_start3A_399 = tpu.memref_slice %arg4[%select_n3A, %select_n3A_32] : memref<16x512xi32, #tpu.memory_space<hbm>> -> memref<1x256xi32, #tpu.memory_space<hbm>>
      %dma_start3A_400 = tpu.memref_squeeze %dma_start3A_399 : memref<1x256xi32, #tpu.memory_space<hbm>> -> memref<256xi32, #tpu.memory_space<hbm>>
      %dma_start3A_401 = tpu.memref_slice %arg4[%select_n3A, %select_n3A_32] : memref<16x512xi32, #tpu.memory_space<hbm>> -> memref<1x256xi32, #tpu.memory_space<hbm>>
      %dma_start3A_402 = tpu.memref_squeeze %dma_start3A_401 : memref<1x256xi32, #tpu.memory_space<hbm>> -> memref<256xi32, #tpu.memory_space<hbm>>
      tpu.enqueue_dma source(%dma_start3A_402 : memref<256xi32, #tpu.memory_space<hbm>>) target(%arg8 : memref<256xi32, #tpu.memory_space<vmem>>) target_semaphore(%run_scoped3A : memref<!tpu.dma_semaphore, #tpu.memory_space<semaphore_mem>>)
      %dma_wait3A_403 = tpu.memref_slice %arg4[%select_n3A, %select_n3A_32] : memref<16x512xi32, #tpu.memory_space<hbm>> -> memref<1x256xi32, #tpu.memory_space<hbm>>
      %dma_wait3A_404 = tpu.memref_squeeze %dma_wait3A_403 : memref<1x256xi32, #tpu.memory_space<hbm>> -> memref<256xi32, #tpu.memory_space<hbm>>
      %dma_wait3A_405 = tpu.memref_slice %arg4[%select_n3A, %select_n3A_32] : memref<16x512xi32, #tpu.memory_space<hbm>> -> memref<1x256xi32, #tpu.memory_space<hbm>>
      %dma_wait3A_406 = tpu.memref_squeeze %dma_wait3A_405 : memref<1x256xi32, #tpu.memory_space<hbm>> -> memref<256xi32, #tpu.memory_space<hbm>>
      tpu.wait_dma2 semaphore(%run_scoped3A : memref<!tpu.dma_semaphore, #tpu.memory_space<semaphore_mem>>) src(%dma_wait3A_406 : memref<256xi32, #tpu.memory_space<hbm>>) dst(%arg8 : memref<256xi32, #tpu.memory_space<vmem>>)
      tpu.yield
    }) : () -> ()
    "tpu.region"() ({
      %run_scoped3A = tpu.sem_alloc : memref<!tpu.dma_semaphore, #tpu.memory_space<semaphore_mem>>
      %dma_start3A_399 = tpu.memref_slice %arg5[%select_n3A, %select_n3A_32] : memref<16x512xi32, #tpu.memory_space<hbm>> -> memref<1x256xi32, #tpu.memory_space<hbm>>
      %dma_start3A_400 = tpu.memref_squeeze %dma_start3A_399 : memref<1x256xi32, #tpu.memory_space<hbm>> -> memref<256xi32, #tpu.memory_space<hbm>>
      %dma_start3A_401 = tpu.memref_slice %arg5[%select_n3A, %select_n3A_32] : memref<16x512xi32, #tpu.memory_space<hbm>> -> memref<1x256xi32, #tpu.memory_space<hbm>>
      %dma_start3A_402 = tpu.memref_squeeze %dma_start3A_401 : memref<1x256xi32, #tpu.memory_space<hbm>> -> memref<256xi32, #tpu.memory_space<hbm>>
      tpu.enqueue_dma source(%dma_start3A_402 : memref<256xi32, #tpu.memory_space<hbm>>) target(%arg9 : memref<256xi32, #tpu.memory_space<vmem>>) target_semaphore(%run_scoped3A : memref<!tpu.dma_semaphore, #tpu.memory_space<semaphore_mem>>)
      %dma_wait3A_403 = tpu.memref_slice %arg5[%select_n3A, %select_n3A_32] : memref<16x512xi32, #tpu.memory_space<hbm>> -> memref<1x256xi32, #tpu.memory_space<hbm>>
      %dma_wait3A_404 = tpu.memref_squeeze %dma_wait3A_403 : memref<1x256xi32, #tpu.memory_space<hbm>> -> memref<256xi32, #tpu.memory_space<hbm>>
      %dma_wait3A_405 = tpu.memref_slice %arg5[%select_n3A, %select_n3A_32] : memref<16x512xi32, #tpu.memory_space<hbm>> -> memref<1x256xi32, #tpu.memory_space<hbm>>
      %dma_wait3A_406 = tpu.memref_squeeze %dma_wait3A_405 : memref<1x256xi32, #tpu.memory_space<hbm>> -> memref<256xi32, #tpu.memory_space<hbm>>
      tpu.wait_dma2 semaphore(%run_scoped3A : memref<!tpu.dma_semaphore, #tpu.memory_space<semaphore_mem>>) src(%dma_wait3A_406 : memref<256xi32, #tpu.memory_space<hbm>>) dst(%arg9 : memref<256xi32, #tpu.memory_space<vmem>>)
      tpu.yield
    }) : () -> ()
    %mul3A_33 = arith.constant 512 : i32
    %mul3A_34 = arith.muli %select_n3A, %mul3A_33 : i32
    %get3A = arith.constant 0 : index
    %get3A_35 = tpu.vector_load %arg8[%get3A] {strides = array<i32>} : memref<256xi32, #tpu.memory_space<vmem>>, vector<16xi32>,
    %get3A_36 = vector.shape_cast %get3A_35 : vector<16xi32> to vector<16xi32>
    %add3A_37 = vector.broadcast %mul3A_34 : i32 to vector<16xi32>
    %add3A_38 = arith.addi %get3A_36, %add3A_37 : vector<16xi32>
    %swap3A = arith.constant 0 : index
    %swap3A_39 = tpu.vector_load %arg8[%swap3A] {strides = array<i32>} : memref<256xi32, #tpu.memory_space<vmem>>, vector<16xi32>,
    %swap3A_40 = vector.shape_cast %swap3A_39 : vector<16xi32> to vector<16xi32>
    %swap3A_41 = vector.shape_cast %add3A_38 : vector<16xi32> to vector<16xi32>
    tpu.vector_store %arg8[%swap3A], %swap3A_41 {strides = array<i32>} : memref<256xi32, #tpu.memory_space<vmem>>, vector<16xi32>,
    %get3A_42 = arith.constant 0 : index
    %get3A_43 = tpu.vector_load %arg9[%get3A_42] {strides = array<i32>} : memref<256xi32, #tpu.memory_space<vmem>>, vector<16xi32>,
    %get3A_44 = vector.shape_cast %get3A_43 : vector<16xi32> to vector<16xi32>
    %add3A_45 = vector.broadcast %mul3A_34 : i32 to vector<16xi32>
    %add3A_46 = arith.addi %get3A_44, %add3A_45 : vector<16xi32>
    %swap3A_47 = arith.constant 0 : index
    %swap3A_48 = tpu.vector_load %arg9[%swap3A_47] {strides = array<i32>} : memref<256xi32, #tpu.memory_space<vmem>>, vector<16xi32>,
    %swap3A_49 = vector.shape_cast %swap3A_48 : vector<16xi32> to vector<16xi32>
    %swap3A_50 = vector.shape_cast %add3A_46 : vector<16xi32> to vector<16xi32>
    tpu.vector_store %arg9[%swap3A_47], %swap3A_50 {strides = array<i32>} : memref<256xi32, #tpu.memory_space<vmem>>, vector<16xi32>,
    %get3A_51 = arith.constant 16 : index
    %get3A_52 = tpu.vector_load %arg8[%get3A_51] {strides = array<i32>} : memref<256xi32, #tpu.memory_space<vmem>>, vector<16xi32>,
    %get3A_53 = vector.shape_cast %get3A_52 : vector<16xi32> to vector<16xi32>
    %add3A_54 = vector.broadcast %mul3A_34 : i32 to vector<16xi32>
    %add3A_55 = arith.addi %get3A_53, %add3A_54 : vector<16xi32>
    %swap3A_56 = arith.constant 16 : index
    %swap3A_57 = tpu.vector_load %arg8[%swap3A_56] {strides = array<i32>} : memref<256xi32, #tpu.memory_space<vmem>>, vector<16xi32>,
    %swap3A_58 = vector.shape_cast %swap3A_57 : vector<16xi32> to vector<16xi32>
    %swap3A_59 = vector.shape_cast %add3A_55 : vector<16xi32> to vector<16xi32>
    tpu.vector_store %arg8[%swap3A_56], %swap3A_59 {strides = array<i32>} : memref<256xi32, #tpu.memory_space<vmem>>, vector<16xi32>,
    %get3A_60 = arith.constant 16 : index
    %get3A_61 = tpu.vector_load %arg9[%get3A_60] {strides = array<i32>} : memref<256xi32, #tpu.memory_space<vmem>>, vector<16xi32>,
    %get3A_62 = vector.shape_cast %get3A_61 : vector<16xi32> to vector<16xi32>
    %add3A_63 = vector.broadcast %mul3A_34 : i32 to vector<16xi32>
    %add3A_64 = arith.addi %get3A_62, %add3A_63 : vector<16xi32>
    %swap3A_65 = arith.constant 16 : index
    %swap3A_66 = tpu.vector_load %arg9[%swap3A_65] {strides = array<i32>} : memref<256xi32, #tpu.memory_space<vmem>>, vector<16xi32>,
    %swap3A_67 = vector.shape_cast %swap3A_66 : vector<16xi32> to vector<16xi32>
    %swap3A_68 = vector.shape_cast %add3A_64 : vector<16xi32> to vector<16xi32>
    tpu.vector_store %arg9[%swap3A_65], %swap3A_68 {strides = array<i32>} : memref<256xi32, #tpu.memory_space<vmem>>, vector<16xi32>,
    %get3A_69 = arith.constant 32 : index
    %get3A_70 = tpu.vector_load %arg8[%get3A_69] {strides = array<i32>} : memref<256xi32, #tpu.memory_space<vmem>>, vector<16xi32>,
    %get3A_71 = vector.shape_cast %get3A_70 : vector<16xi32> to vector<16xi32>
    %add3A_72 = vector.broadcast %mul3A_34 : i32 to vector<16xi32>
    %add3A_73 = arith.addi %get3A_71, %add3A_72 : vector<16xi32>
    %swap3A_74 = arith.constant 32 : index
    %swap3A_75 = tpu.vector_load %arg8[%swap3A_74] {strides = array<i32>} : memref<256xi32, #tpu.memory_space<vmem>>, vector<16xi32>,
    %swap3A_76 = vector.shape_cast %swap3A_75 : vector<16xi32> to vector<16xi32>
    %swap3A_77 = vector.shape_cast %add3A_73 : vector<16xi32> to vector<16xi32>
    tpu.vector_store %arg8[%swap3A_74], %swap3A_77 {strides = array<i32>} : memref<256xi32, #tpu.memory_space<vmem>>, vector<16xi32>,
    %get3A_78 = arith.constant 32 : index
    %get3A_79 = tpu.vector_load %arg9[%get3A_78] {strides = array<i32>} : memref<256xi32, #tpu.memory_space<vmem>>, vector<16xi32>,
    %get3A_80 = vector.shape_cast %get3A_79 : vector<16xi32> to vector<16xi32>
    %add3A_81 = vector.broadcast %mul3A_34 : i32 to vector<16xi32>
    %add3A_82 = arith.addi %get3A_80, %add3A_81 : vector<16xi32>
    %swap3A_83 = arith.constant 32 : index
    %swap3A_84 = tpu.vector_load %arg9[%swap3A_83] {strides = array<i32>} : memref<256xi32, #tpu.memory_space<vmem>>, vector<16xi32>,
    %swap3A_85 = vector.shape_cast %swap3A_84 : vector<16xi32> to vector<16xi32>
    %swap3A_86 = vector.shape_cast %add3A_82 : vector<16xi32> to vector<16xi32>
    tpu.vector_store %arg9[%swap3A_83], %swap3A_86 {strides = array<i32>} : memref<256xi32, #tpu.memory_space<vmem>>, vector<16xi32>,
    %get3A_87 = arith.constant 48 : index
    %get3A_88 = tpu.vector_load %arg8[%get3A_87] {strides = array<i32>} : memref<256xi32, #tpu.memory_space<vmem>>, vector<16xi32>,
    %get3A_89 = vector.shape_cast %get3A_88 : vector<16xi32> to vector<16xi32>
    %add3A_90 = vector.broadcast %mul3A_34 : i32 to vector<16xi32>
    %add3A_91 = arith.addi %get3A_89, %add3A_90 : vector<16xi32>
    %swap3A_92 = arith.constant 48 : index
    %swap3A_93 = tpu.vector_load %arg8[%swap3A_92] {strides = array<i32>} : memref<256xi32, #tpu.memory_space<vmem>>, vector<16xi32>,
    %swap3A_94 = vector.shape_cast %swap3A_93 : vector<16xi32> to vector<16xi32>
    %swap3A_95 = vector.shape_cast %add3A_91 : vector<16xi32> to vector<16xi32>
    tpu.vector_store %arg8[%swap3A_92], %swap3A_95 {strides = array<i32>} : memref<256xi32, #tpu.memory_space<vmem>>, vector<16xi32>,
    %get3A_96 = arith.constant 48 : index
    %get3A_97 = tpu.vector_load %arg9[%get3A_96] {strides = array<i32>} : memref<256xi32, #tpu.memory_space<vmem>>, vector<16xi32>,
    %get3A_98 = vector.shape_cast %get3A_97 : vector<16xi32> to vector<16xi32>
    %add3A_99 = vector.broadcast %mul3A_34 : i32 to vector<16xi32>
    %add3A_100 = arith.addi %get3A_98, %add3A_99 : vector<16xi32>
    %swap3A_101 = arith.constant 48 : index
    %swap3A_102 = tpu.vector_load %arg9[%swap3A_101] {strides = array<i32>} : memref<256xi32, #tpu.memory_space<vmem>>, vector<16xi32>,
    %swap3A_103 = vector.shape_cast %swap3A_102 : vector<16xi32> to vector<16xi32>
    %swap3A_104 = vector.shape_cast %add3A_100 : vector<16xi32> to vector<16xi32>
    tpu.vector_store %arg9[%swap3A_101], %swap3A_104 {strides = array<i32>} : memref<256xi32, #tpu.memory_space<vmem>>, vector<16xi32>,
    %get3A_105 = arith.constant 64 : index
    %get3A_106 = tpu.vector_load %arg8[%get3A_105] {strides = array<i32>} : memref<256xi32, #tpu.memory_space<vmem>>, vector<16xi32>,
    %get3A_107 = vector.shape_cast %get3A_106 : vector<16xi32> to vector<16xi32>
    %add3A_108 = vector.broadcast %mul3A_34 : i32 to vector<16xi32>
    %add3A_109 = arith.addi %get3A_107, %add3A_108 : vector<16xi32>
    %swap3A_110 = arith.constant 64 : index
    %swap3A_111 = tpu.vector_load %arg8[%swap3A_110] {strides = array<i32>} : memref<256xi32, #tpu.memory_space<vmem>>, vector<16xi32>,
    %swap3A_112 = vector.shape_cast %swap3A_111 : vector<16xi32> to vector<16xi32>
    %swap3A_113 = vector.shape_cast %add3A_109 : vector<16xi32> to vector<16xi32>
    tpu.vector_store %arg8[%swap3A_110], %swap3A_113 {strides = array<i32>} : memref<256xi32, #tpu.memory_space<vmem>>, vector<16xi32>,
    %get3A_114 = arith.constant 64 : index
    %get3A_115 = tpu.vector_load %arg9[%get3A_114] {strides = array<i32>} : memref<256xi32, #tpu.memory_space<vmem>>, vector<16xi32>,
    %get3A_116 = vector.shape_cast %get3A_115 : vector<16xi32> to vector<16xi32>
    %add3A_117 = vector.broadcast %mul3A_34 : i32 to vector<16xi32>
    %add3A_118 = arith.addi %get3A_116, %add3A_117 : vector<16xi32>
    %swap3A_119 = arith.constant 64 : index
    %swap3A_120 = tpu.vector_load %arg9[%swap3A_119] {strides = array<i32>} : memref<256xi32, #tpu.memory_space<vmem>>, vector<16xi32>,
    %swap3A_121 = vector.shape_cast %swap3A_120 : vector<16xi32> to vector<16xi32>
    %swap3A_122 = vector.shape_cast %add3A_118 : vector<16xi32> to vector<16xi32>
    tpu.vector_store %arg9[%swap3A_119], %swap3A_122 {strides = array<i32>} : memref<256xi32, #tpu.memory_space<vmem>>, vector<16xi32>,
    %get3A_123 = arith.constant 80 : index
    %get3A_124 = tpu.vector_load %arg8[%get3A_123] {strides = array<i32>} : memref<256xi32, #tpu.memory_space<vmem>>, vector<16xi32>,
    %get3A_125 = vector.shape_cast %get3A_124 : vector<16xi32> to vector<16xi32>
    %add3A_126 = vector.broadcast %mul3A_34 : i32 to vector<16xi32>
    %add3A_127 = arith.addi %get3A_125, %add3A_126 : vector<16xi32>
    %swap3A_128 = arith.constant 80 : index
    %swap3A_129 = tpu.vector_load %arg8[%swap3A_128] {strides = array<i32>} : memref<256xi32, #tpu.memory_space<vmem>>, vector<16xi32>,
    %swap3A_130 = vector.shape_cast %swap3A_129 : vector<16xi32> to vector<16xi32>
    %swap3A_131 = vector.shape_cast %add3A_127 : vector<16xi32> to vector<16xi32>
    tpu.vector_store %arg8[%swap3A_128], %swap3A_131 {strides = array<i32>} : memref<256xi32, #tpu.memory_space<vmem>>, vector<16xi32>,
    %get3A_132 = arith.constant 80 : index
    %get3A_133 = tpu.vector_load %arg9[%get3A_132] {strides = array<i32>} : memref<256xi32, #tpu.memory_space<vmem>>, vector<16xi32>,
    %get3A_134 = vector.shape_cast %get3A_133 : vector<16xi32> to vector<16xi32>
    %add3A_135 = vector.broadcast %mul3A_34 : i32 to vector<16xi32>
    %add3A_136 = arith.addi %get3A_134, %add3A_135 : vector<16xi32>
    %swap3A_137 = arith.constant 80 : index
    %swap3A_138 = tpu.vector_load %arg9[%swap3A_137] {strides = array<i32>} : memref<256xi32, #tpu.memory_space<vmem>>, vector<16xi32>,
    %swap3A_139 = vector.shape_cast %swap3A_138 : vector<16xi32> to vector<16xi32>
    %swap3A_140 = vector.shape_cast %add3A_136 : vector<16xi32> to vector<16xi32>
    tpu.vector_store %arg9[%swap3A_137], %swap3A_140 {strides = array<i32>} : memref<256xi32, #tpu.memory_space<vmem>>, vector<16xi32>,
    %get3A_141 = arith.constant 96 : index
    %get3A_142 = tpu.vector_load %arg8[%get3A_141] {strides = array<i32>} : memref<256xi32, #tpu.memory_space<vmem>>, vector<16xi32>,
    %get3A_143 = vector.shape_cast %get3A_142 : vector<16xi32> to vector<16xi32>
    %add3A_144 = vector.broadcast %mul3A_34 : i32 to vector<16xi32>
    %add3A_145 = arith.addi %get3A_143, %add3A_144 : vector<16xi32>
    %swap3A_146 = arith.constant 96 : index
    %swap3A_147 = tpu.vector_load %arg8[%swap3A_146] {strides = array<i32>} : memref<256xi32, #tpu.memory_space<vmem>>, vector<16xi32>,
    %swap3A_148 = vector.shape_cast %swap3A_147 : vector<16xi32> to vector<16xi32>
    %swap3A_149 = vector.shape_cast %add3A_145 : vector<16xi32> to vector<16xi32>
    tpu.vector_store %arg8[%swap3A_146], %swap3A_149 {strides = array<i32>} : memref<256xi32, #tpu.memory_space<vmem>>, vector<16xi32>,
    %get3A_150 = arith.constant 96 : index
    %get3A_151 = tpu.vector_load %arg9[%get3A_150] {strides = array<i32>} : memref<256xi32, #tpu.memory_space<vmem>>, vector<16xi32>,
    %get3A_152 = vector.shape_cast %get3A_151 : vector<16xi32> to vector<16xi32>
    %add3A_153 = vector.broadcast %mul3A_34 : i32 to vector<16xi32>
    %add3A_154 = arith.addi %get3A_152, %add3A_153 : vector<16xi32>
    %swap3A_155 = arith.constant 96 : index
    %swap3A_156 = tpu.vector_load %arg9[%swap3A_155] {strides = array<i32>} : memref<256xi32, #tpu.memory_space<vmem>>, vector<16xi32>,
    %swap3A_157 = vector.shape_cast %swap3A_156 : vector<16xi32> to vector<16xi32>
    %swap3A_158 = vector.shape_cast %add3A_154 : vector<16xi32> to vector<16xi32>
    tpu.vector_store %arg9[%swap3A_155], %swap3A_158 {strides = array<i32>} : memref<256xi32, #tpu.memory_space<vmem>>, vector<16xi32>,
    %get3A_159 = arith.constant 112 : index
    %get3A_160 = tpu.vector_load %arg8[%get3A_159] {strides = array<i32>} : memref<256xi32, #tpu.memory_space<vmem>>, vector<16xi32>,
    %get3A_161 = vector.shape_cast %get3A_160 : vector<16xi32> to vector<16xi32>
    %add3A_162 = vector.broadcast %mul3A_34 : i32 to vector<16xi32>
    %add3A_163 = arith.addi %get3A_161, %add3A_162 : vector<16xi32>
    %swap3A_164 = arith.constant 112 : index
    %swap3A_165 = tpu.vector_load %arg8[%swap3A_164] {strides = array<i32>} : memref<256xi32, #tpu.memory_space<vmem>>, vector<16xi32>,
    %swap3A_166 = vector.shape_cast %swap3A_165 : vector<16xi32> to vector<16xi32>
    %swap3A_167 = vector.shape_cast %add3A_163 : vector<16xi32> to vector<16xi32>
    tpu.vector_store %arg8[%swap3A_164], %swap3A_167 {strides = array<i32>} : memref<256xi32, #tpu.memory_space<vmem>>, vector<16xi32>,
    %get3A_168 = arith.constant 112 : index
    %get3A_169 = tpu.vector_load %arg9[%get3A_168] {strides = array<i32>} : memref<256xi32, #tpu.memory_space<vmem>>, vector<16xi32>,
    %get3A_170 = vector.shape_cast %get3A_169 : vector<16xi32> to vector<16xi32>
    %add3A_171 = vector.broadcast %mul3A_34 : i32 to vector<16xi32>
    %add3A_172 = arith.addi %get3A_170, %add3A_171 : vector<16xi32>
    %swap3A_173 = arith.constant 112 : index
    %swap3A_174 = tpu.vector_load %arg9[%swap3A_173] {strides = array<i32>} : memref<256xi32, #tpu.memory_space<vmem>>, vector<16xi32>,
    %swap3A_175 = vector.shape_cast %swap3A_174 : vector<16xi32> to vector<16xi32>
    %swap3A_176 = vector.shape_cast %add3A_172 : vector<16xi32> to vector<16xi32>
    tpu.vector_store %arg9[%swap3A_173], %swap3A_176 {strides = array<i32>} : memref<256xi32, #tpu.memory_space<vmem>>, vector<16xi32>,
    %get3A_177 = arith.constant 128 : index
    %get3A_178 = tpu.vector_load %arg8[%get3A_177] {strides = array<i32>} : memref<256xi32, #tpu.memory_space<vmem>>, vector<16xi32>,
    %get3A_179 = vector.shape_cast %get3A_178 : vector<16xi32> to vector<16xi32>
    %add3A_180 = vector.broadcast %mul3A_34 : i32 to vector<16xi32>
    %add3A_181 = arith.addi %get3A_179, %add3A_180 : vector<16xi32>
    %swap3A_182 = arith.constant 128 : index
    %swap3A_183 = tpu.vector_load %arg8[%swap3A_182] {strides = array<i32>} : memref<256xi32, #tpu.memory_space<vmem>>, vector<16xi32>,
    %swap3A_184 = vector.shape_cast %swap3A_183 : vector<16xi32> to vector<16xi32>
    %swap3A_185 = vector.shape_cast %add3A_181 : vector<16xi32> to vector<16xi32>
    tpu.vector_store %arg8[%swap3A_182], %swap3A_185 {strides = array<i32>} : memref<256xi32, #tpu.memory_space<vmem>>, vector<16xi32>,
    %get3A_186 = arith.constant 128 : index
    %get3A_187 = tpu.vector_load %arg9[%get3A_186] {strides = array<i32>} : memref<256xi32, #tpu.memory_space<vmem>>, vector<16xi32>,
    %get3A_188 = vector.shape_cast %get3A_187 : vector<16xi32> to vector<16xi32>
    %add3A_189 = vector.broadcast %mul3A_34 : i32 to vector<16xi32>
    %add3A_190 = arith.addi %get3A_188, %add3A_189 : vector<16xi32>
    %swap3A_191 = arith.constant 128 : index
    %swap3A_192 = tpu.vector_load %arg9[%swap3A_191] {strides = array<i32>} : memref<256xi32, #tpu.memory_space<vmem>>, vector<16xi32>,
    %swap3A_193 = vector.shape_cast %swap3A_192 : vector<16xi32> to vector<16xi32>
    %swap3A_194 = vector.shape_cast %add3A_190 : vector<16xi32> to vector<16xi32>
    tpu.vector_store %arg9[%swap3A_191], %swap3A_194 {strides = array<i32>} : memref<256xi32, #tpu.memory_space<vmem>>, vector<16xi32>,
    %get3A_195 = arith.constant 144 : index
    %get3A_196 = tpu.vector_load %arg8[%get3A_195] {strides = array<i32>} : memref<256xi32, #tpu.memory_space<vmem>>, vector<16xi32>,
    %get3A_197 = vector.shape_cast %get3A_196 : vector<16xi32> to vector<16xi32>
    %add3A_198 = vector.broadcast %mul3A_34 : i32 to vector<16xi32>
    %add3A_199 = arith.addi %get3A_197, %add3A_198 : vector<16xi32>
    %swap3A_200 = arith.constant 144 : index
    %swap3A_201 = tpu.vector_load %arg8[%swap3A_200] {strides = array<i32>} : memref<256xi32, #tpu.memory_space<vmem>>, vector<16xi32>,
    %swap3A_202 = vector.shape_cast %swap3A_201 : vector<16xi32> to vector<16xi32>
    %swap3A_203 = vector.shape_cast %add3A_199 : vector<16xi32> to vector<16xi32>
    tpu.vector_store %arg8[%swap3A_200], %swap3A_203 {strides = array<i32>} : memref<256xi32, #tpu.memory_space<vmem>>, vector<16xi32>,
    %get3A_204 = arith.constant 144 : index
    %get3A_205 = tpu.vector_load %arg9[%get3A_204] {strides = array<i32>} : memref<256xi32, #tpu.memory_space<vmem>>, vector<16xi32>,
    %get3A_206 = vector.shape_cast %get3A_205 : vector<16xi32> to vector<16xi32>
    %add3A_207 = vector.broadcast %mul3A_34 : i32 to vector<16xi32>
    %add3A_208 = arith.addi %get3A_206, %add3A_207 : vector<16xi32>
    %swap3A_209 = arith.constant 144 : index
    %swap3A_210 = tpu.vector_load %arg9[%swap3A_209] {strides = array<i32>} : memref<256xi32, #tpu.memory_space<vmem>>, vector<16xi32>,
    %swap3A_211 = vector.shape_cast %swap3A_210 : vector<16xi32> to vector<16xi32>
    %swap3A_212 = vector.shape_cast %add3A_208 : vector<16xi32> to vector<16xi32>
    tpu.vector_store %arg9[%swap3A_209], %swap3A_212 {strides = array<i32>} : memref<256xi32, #tpu.memory_space<vmem>>, vector<16xi32>,
    %get3A_213 = arith.constant 160 : index
    %get3A_214 = tpu.vector_load %arg8[%get3A_213] {strides = array<i32>} : memref<256xi32, #tpu.memory_space<vmem>>, vector<16xi32>,
    %get3A_215 = vector.shape_cast %get3A_214 : vector<16xi32> to vector<16xi32>
    %add3A_216 = vector.broadcast %mul3A_34 : i32 to vector<16xi32>
    %add3A_217 = arith.addi %get3A_215, %add3A_216 : vector<16xi32>
    %swap3A_218 = arith.constant 160 : index
    %swap3A_219 = tpu.vector_load %arg8[%swap3A_218] {strides = array<i32>} : memref<256xi32, #tpu.memory_space<vmem>>, vector<16xi32>,
    %swap3A_220 = vector.shape_cast %swap3A_219 : vector<16xi32> to vector<16xi32>
    %swap3A_221 = vector.shape_cast %add3A_217 : vector<16xi32> to vector<16xi32>
    tpu.vector_store %arg8[%swap3A_218], %swap3A_221 {strides = array<i32>} : memref<256xi32, #tpu.memory_space<vmem>>, vector<16xi32>,
    %get3A_222 = arith.constant 160 : index
    %get3A_223 = tpu.vector_load %arg9[%get3A_222] {strides = array<i32>} : memref<256xi32, #tpu.memory_space<vmem>>, vector<16xi32>,
    %get3A_224 = vector.shape_cast %get3A_223 : vector<16xi32> to vector<16xi32>
    %add3A_225 = vector.broadcast %mul3A_34 : i32 to vector<16xi32>
    %add3A_226 = arith.addi %get3A_224, %add3A_225 : vector<16xi32>
    %swap3A_227 = arith.constant 160 : index
    %swap3A_228 = tpu.vector_load %arg9[%swap3A_227] {strides = array<i32>} : memref<256xi32, #tpu.memory_space<vmem>>, vector<16xi32>,
    %swap3A_229 = vector.shape_cast %swap3A_228 : vector<16xi32> to vector<16xi32>
    %swap3A_230 = vector.shape_cast %add3A_226 : vector<16xi32> to vector<16xi32>
    tpu.vector_store %arg9[%swap3A_227], %swap3A_230 {strides = array<i32>} : memref<256xi32, #tpu.memory_space<vmem>>, vector<16xi32>,
    %get3A_231 = arith.constant 176 : index
    %get3A_232 = tpu.vector_load %arg8[%get3A_231] {strides = array<i32>} : memref<256xi32, #tpu.memory_space<vmem>>, vector<16xi32>,
    %get3A_233 = vector.shape_cast %get3A_232 : vector<16xi32> to vector<16xi32>
    %add3A_234 = vector.broadcast %mul3A_34 : i32 to vector<16xi32>
    %add3A_235 = arith.addi %get3A_233, %add3A_234 : vector<16xi32>
    %swap3A_236 = arith.constant 176 : index
    %swap3A_237 = tpu.vector_load %arg8[%swap3A_236] {strides = array<i32>} : memref<256xi32, #tpu.memory_space<vmem>>, vector<16xi32>,
    %swap3A_238 = vector.shape_cast %swap3A_237 : vector<16xi32> to vector<16xi32>
    %swap3A_239 = vector.shape_cast %add3A_235 : vector<16xi32> to vector<16xi32>
    tpu.vector_store %arg8[%swap3A_236], %swap3A_239 {strides = array<i32>} : memref<256xi32, #tpu.memory_space<vmem>>, vector<16xi32>,
    %get3A_240 = arith.constant 176 : index
    %get3A_241 = tpu.vector_load %arg9[%get3A_240] {strides = array<i32>} : memref<256xi32, #tpu.memory_space<vmem>>, vector<16xi32>,
    %get3A_242 = vector.shape_cast %get3A_241 : vector<16xi32> to vector<16xi32>
    %add3A_243 = vector.broadcast %mul3A_34 : i32 to vector<16xi32>
    %add3A_244 = arith.addi %get3A_242, %add3A_243 : vector<16xi32>
    %swap3A_245 = arith.constant 176 : index
    %swap3A_246 = tpu.vector_load %arg9[%swap3A_245] {strides = array<i32>} : memref<256xi32, #tpu.memory_space<vmem>>, vector<16xi32>,
    %swap3A_247 = vector.shape_cast %swap3A_246 : vector<16xi32> to vector<16xi32>
    %swap3A_248 = vector.shape_cast %add3A_244 : vector<16xi32> to vector<16xi32>
    tpu.vector_store %arg9[%swap3A_245], %swap3A_248 {strides = array<i32>} : memref<256xi32, #tpu.memory_space<vmem>>, vector<16xi32>,
    %get3A_249 = arith.constant 192 : index
    %get3A_250 = tpu.vector_load %arg8[%get3A_249] {strides = array<i32>} : memref<256xi32, #tpu.memory_space<vmem>>, vector<16xi32>,
    %get3A_251 = vector.shape_cast %get3A_250 : vector<16xi32> to vector<16xi32>
    %add3A_252 = vector.broadcast %mul3A_34 : i32 to vector<16xi32>
    %add3A_253 = arith.addi %get3A_251, %add3A_252 : vector<16xi32>
    %swap3A_254 = arith.constant 192 : index
    %swap3A_255 = tpu.vector_load %arg8[%swap3A_254] {strides = array<i32>} : memref<256xi32, #tpu.memory_space<vmem>>, vector<16xi32>,
    %swap3A_256 = vector.shape_cast %swap3A_255 : vector<16xi32> to vector<16xi32>
    %swap3A_257 = vector.shape_cast %add3A_253 : vector<16xi32> to vector<16xi32>
    tpu.vector_store %arg8[%swap3A_254], %swap3A_257 {strides = array<i32>} : memref<256xi32, #tpu.memory_space<vmem>>, vector<16xi32>,
    %get3A_258 = arith.constant 192 : index
    %get3A_259 = tpu.vector_load %arg9[%get3A_258] {strides = array<i32>} : memref<256xi32, #tpu.memory_space<vmem>>, vector<16xi32>,
    %get3A_260 = vector.shape_cast %get3A_259 : vector<16xi32> to vector<16xi32>
    %add3A_261 = vector.broadcast %mul3A_34 : i32 to vector<16xi32>
    %add3A_262 = arith.addi %get3A_260, %add3A_261 : vector<16xi32>
    %swap3A_263 = arith.constant 192 : index
    %swap3A_264 = tpu.vector_load %arg9[%swap3A_263] {strides = array<i32>} : memref<256xi32, #tpu.memory_space<vmem>>, vector<16xi32>,
    %swap3A_265 = vector.shape_cast %swap3A_264 : vector<16xi32> to vector<16xi32>
    %swap3A_266 = vector.shape_cast %add3A_262 : vector<16xi32> to vector<16xi32>
    tpu.vector_store %arg9[%swap3A_263], %swap3A_266 {strides = array<i32>} : memref<256xi32, #tpu.memory_space<vmem>>, vector<16xi32>,
    %get3A_267 = arith.constant 208 : index
    %get3A_268 = tpu.vector_load %arg8[%get3A_267] {strides = array<i32>} : memref<256xi32, #tpu.memory_space<vmem>>, vector<16xi32>,
    %get3A_269 = vector.shape_cast %get3A_268 : vector<16xi32> to vector<16xi32>
    %add3A_270 = vector.broadcast %mul3A_34 : i32 to vector<16xi32>
    %add3A_271 = arith.addi %get3A_269, %add3A_270 : vector<16xi32>
    %swap3A_272 = arith.constant 208 : index
    %swap3A_273 = tpu.vector_load %arg8[%swap3A_272] {strides = array<i32>} : memref<256xi32, #tpu.memory_space<vmem>>, vector<16xi32>,
    %swap3A_274 = vector.shape_cast %swap3A_273 : vector<16xi32> to vector<16xi32>
    %swap3A_275 = vector.shape_cast %add3A_271 : vector<16xi32> to vector<16xi32>
    tpu.vector_store %arg8[%swap3A_272], %swap3A_275 {strides = array<i32>} : memref<256xi32, #tpu.memory_space<vmem>>, vector<16xi32>,
    %get3A_276 = arith.constant 208 : index
    %get3A_277 = tpu.vector_load %arg9[%get3A_276] {strides = array<i32>} : memref<256xi32, #tpu.memory_space<vmem>>, vector<16xi32>,
    %get3A_278 = vector.shape_cast %get3A_277 : vector<16xi32> to vector<16xi32>
    %add3A_279 = vector.broadcast %mul3A_34 : i32 to vector<16xi32>
    %add3A_280 = arith.addi %get3A_278, %add3A_279 : vector<16xi32>
    %swap3A_281 = arith.constant 208 : index
    %swap3A_282 = tpu.vector_load %arg9[%swap3A_281] {strides = array<i32>} : memref<256xi32, #tpu.memory_space<vmem>>, vector<16xi32>,
    %swap3A_283 = vector.shape_cast %swap3A_282 : vector<16xi32> to vector<16xi32>
    %swap3A_284 = vector.shape_cast %add3A_280 : vector<16xi32> to vector<16xi32>
    tpu.vector_store %arg9[%swap3A_281], %swap3A_284 {strides = array<i32>} : memref<256xi32, #tpu.memory_space<vmem>>, vector<16xi32>,
    %get3A_285 = arith.constant 224 : index
    %get3A_286 = tpu.vector_load %arg8[%get3A_285] {strides = array<i32>} : memref<256xi32, #tpu.memory_space<vmem>>, vector<16xi32>,
    %get3A_287 = vector.shape_cast %get3A_286 : vector<16xi32> to vector<16xi32>
    %add3A_288 = vector.broadcast %mul3A_34 : i32 to vector<16xi32>
    %add3A_289 = arith.addi %get3A_287, %add3A_288 : vector<16xi32>
    %swap3A_290 = arith.constant 224 : index
    %swap3A_291 = tpu.vector_load %arg8[%swap3A_290] {strides = array<i32>} : memref<256xi32, #tpu.memory_space<vmem>>, vector<16xi32>,
    %swap3A_292 = vector.shape_cast %swap3A_291 : vector<16xi32> to vector<16xi32>
    %swap3A_293 = vector.shape_cast %add3A_289 : vector<16xi32> to vector<16xi32>
    tpu.vector_store %arg8[%swap3A_290], %swap3A_293 {strides = array<i32>} : memref<256xi32, #tpu.memory_space<vmem>>, vector<16xi32>,
    %get3A_294 = arith.constant 224 : index
    %get3A_295 = tpu.vector_load %arg9[%get3A_294] {strides = array<i32>} : memref<256xi32, #tpu.memory_space<vmem>>, vector<16xi32>,
    %get3A_296 = vector.shape_cast %get3A_295 : vector<16xi32> to vector<16xi32>
    %add3A_297 = vector.broadcast %mul3A_34 : i32 to vector<16xi32>
    %add3A_298 = arith.addi %get3A_296, %add3A_297 : vector<16xi32>
    %swap3A_299 = arith.constant 224 : index
    %swap3A_300 = tpu.vector_load %arg9[%swap3A_299] {strides = array<i32>} : memref<256xi32, #tpu.memory_space<vmem>>, vector<16xi32>,
    %swap3A_301 = vector.shape_cast %swap3A_300 : vector<16xi32> to vector<16xi32>
    %swap3A_302 = vector.shape_cast %add3A_298 : vector<16xi32> to vector<16xi32>
    tpu.vector_store %arg9[%swap3A_299], %swap3A_302 {strides = array<i32>} : memref<256xi32, #tpu.memory_space<vmem>>, vector<16xi32>,
    %get3A_303 = arith.constant 240 : index
    %get3A_304 = tpu.vector_load %arg8[%get3A_303] {strides = array<i32>} : memref<256xi32, #tpu.memory_space<vmem>>, vector<16xi32>,
    %get3A_305 = vector.shape_cast %get3A_304 : vector<16xi32> to vector<16xi32>
    %add3A_306 = vector.broadcast %mul3A_34 : i32 to vector<16xi32>
    %add3A_307 = arith.addi %get3A_305, %add3A_306 : vector<16xi32>
    %swap3A_308 = arith.constant 240 : index
    %swap3A_309 = tpu.vector_load %arg8[%swap3A_308] {strides = array<i32>} : memref<256xi32, #tpu.memory_space<vmem>>, vector<16xi32>,
    %swap3A_310 = vector.shape_cast %swap3A_309 : vector<16xi32> to vector<16xi32>
    %swap3A_311 = vector.shape_cast %add3A_307 : vector<16xi32> to vector<16xi32>
    tpu.vector_store %arg8[%swap3A_308], %swap3A_311 {strides = array<i32>} : memref<256xi32, #tpu.memory_space<vmem>>, vector<16xi32>,
    %get3A_312 = arith.constant 240 : index
    %get3A_313 = tpu.vector_load %arg9[%get3A_312] {strides = array<i32>} : memref<256xi32, #tpu.memory_space<vmem>>, vector<16xi32>,
    %get3A_314 = vector.shape_cast %get3A_313 : vector<16xi32> to vector<16xi32>
    %add3A_315 = vector.broadcast %mul3A_34 : i32 to vector<16xi32>
    %add3A_316 = arith.addi %get3A_314, %add3A_315 : vector<16xi32>
    %swap3A_317 = arith.constant 240 : index
    %swap3A_318 = tpu.vector_load %arg9[%swap3A_317] {strides = array<i32>} : memref<256xi32, #tpu.memory_space<vmem>>, vector<16xi32>,
    %swap3A_319 = vector.shape_cast %swap3A_318 : vector<16xi32> to vector<16xi32>
    %swap3A_320 = vector.shape_cast %add3A_316 : vector<16xi32> to vector<16xi32>
    tpu.vector_store %arg9[%swap3A_317], %swap3A_320 {strides = array<i32>} : memref<256xi32, #tpu.memory_space<vmem>>, vector<16xi32>,
    %dma_start3A = arith.constant 0 : i32
    %dma_start3A_321 = tpu.memref_slice %arg8[%dma_start3A] : memref<256xi32, #tpu.memory_space<vmem>> -> memref<128xi32, #tpu.memory_space<vmem>>
    %dma_start3A_322 = arith.constant 0 : i32
    %dma_start3A_323 = arith.constant 0 : i32
    %dma_start3A_324 = tpu.memref_slice %arg2[%dma_start3A_322, %dma_start3A_323] : memref<8192x256xi32, #tpu.memory_space<hbm>> -> memref<8192x256xi32, #tpu.memory_space<hbm>>
    tpu.enqueue_indirect_dma source(%dma_start3A_324 : memref<8192x256xi32, #tpu.memory_space<hbm>>) target(%arg10 : memref<128x256xi32, #tpu.memory_space<vmem>>) offsets(%dma_start3A_321 : memref<128xi32, #tpu.memory_space<vmem>>) semaphore(%arg12 : memref<!tpu.dma_semaphore, #tpu.memory_space<semaphore_mem>>)
    %dma_wait3A = arith.constant 0 : i32
    %dma_wait3A_325 = tpu.memref_slice %arg8[%dma_wait3A] : memref<256xi32, #tpu.memory_space<vmem>> -> memref<128xi32, #tpu.memory_space<vmem>>
    %dma_wait3A_326 = arith.constant 0 : i32
    %dma_wait3A_327 = arith.constant 0 : i32
    %dma_wait3A_328 = tpu.memref_slice %arg2[%dma_wait3A_326, %dma_wait3A_327] : memref<8192x256xi32, #tpu.memory_space<hbm>> -> memref<8192x256xi32, #tpu.memory_space<hbm>>
    tpu.wait_indirect_dma semaphore(%arg12 : memref<!tpu.dma_semaphore, #tpu.memory_space<semaphore_mem>>) src(%dma_wait3A_328 : memref<8192x256xi32, #tpu.memory_space<hbm>>) dst(%arg10 : memref<128x256xi32, #tpu.memory_space<vmem>>)
    %add3A_329 = arith.constant 0 : i32
    %add3A_330 = arith.addi %mul3A_2, %add3A_329 : i32
    %dma_start3A_331 = arith.constant 0 : i32
    %dma_start3A_332 = tpu.memref_slice %arg6[%add3A_330, %dma_start3A_331] : memref<8192x256xi32, #tpu.memory_space<hbm>> -> memref<128x256xi32, #tpu.memory_space<hbm>>
    %dma_start3A_333 = arith.constant 0 : i32
    %dma_start3A_334 = tpu.memref_slice %arg6[%add3A_330, %dma_start3A_333] : memref<8192x256xi32, #tpu.memory_space<hbm>> -> memref<128x256xi32, #tpu.memory_space<hbm>>
    tpu.enqueue_dma source(%arg10 : memref<128x256xi32, #tpu.memory_space<vmem>>) target(%dma_start3A_334 : memref<128x256xi32, #tpu.memory_space<hbm>>) target_semaphore(%arg14 : memref<!tpu.dma_semaphore, #tpu.memory_space<semaphore_mem>>)
    %dma_start3A_335 = arith.constant 128 : i32
    %dma_start3A_336 = tpu.memref_slice %arg8[%dma_start3A_335] : memref<256xi32, #tpu.memory_space<vmem>> -> memref<128xi32, #tpu.memory_space<vmem>>
    %dma_start3A_337 = arith.constant 0 : i32
    %dma_start3A_338 = arith.constant 0 : i32
    %dma_start3A_339 = tpu.memref_slice %arg2[%dma_start3A_337, %dma_start3A_338] : memref<8192x256xi32, #tpu.memory_space<hbm>> -> memref<8192x256xi32, #tpu.memory_space<hbm>>
    tpu.enqueue_indirect_dma source(%dma_start3A_339 : memref<8192x256xi32, #tpu.memory_space<hbm>>) target(%arg11 : memref<128x256xi32, #tpu.memory_space<vmem>>) offsets(%dma_start3A_336 : memref<128xi32, #tpu.memory_space<vmem>>) semaphore(%arg13 : memref<!tpu.dma_semaphore, #tpu.memory_space<semaphore_mem>>)
    %dma_wait3A_340 = arith.constant 128 : i32
    %dma_wait3A_341 = tpu.memref_slice %arg8[%dma_wait3A_340] : memref<256xi32, #tpu.memory_space<vmem>> -> memref<128xi32, #tpu.memory_space<vmem>>
    %dma_wait3A_342 = arith.constant 0 : i32
    %dma_wait3A_343 = arith.constant 0 : i32
    %dma_wait3A_344 = tpu.memref_slice %arg2[%dma_wait3A_342, %dma_wait3A_343] : memref<8192x256xi32, #tpu.memory_space<hbm>> -> memref<8192x256xi32, #tpu.memory_space<hbm>>
    tpu.wait_indirect_dma semaphore(%arg13 : memref<!tpu.dma_semaphore, #tpu.memory_space<semaphore_mem>>) src(%dma_wait3A_344 : memref<8192x256xi32, #tpu.memory_space<hbm>>) dst(%arg11 : memref<128x256xi32, #tpu.memory_space<vmem>>)
    %add3A_345 = arith.constant 128 : i32
    %add3A_346 = arith.addi %mul3A_2, %add3A_345 : i32
    %dma_start3A_347 = arith.constant 0 : i32
    %dma_start3A_348 = tpu.memref_slice %arg6[%add3A_346, %dma_start3A_347] : memref<8192x256xi32, #tpu.memory_space<hbm>> -> memref<128x256xi32, #tpu.memory_space<hbm>>
    %dma_start3A_349 = arith.constant 0 : i32
    %dma_start3A_350 = tpu.memref_slice %arg6[%add3A_346, %dma_start3A_349] : memref<8192x256xi32, #tpu.memory_space<hbm>> -> memref<128x256xi32, #tpu.memory_space<hbm>>
    tpu.enqueue_dma source(%arg11 : memref<128x256xi32, #tpu.memory_space<vmem>>) target(%dma_start3A_350 : memref<128x256xi32, #tpu.memory_space<hbm>>) target_semaphore(%arg15 : memref<!tpu.dma_semaphore, #tpu.memory_space<semaphore_mem>>)
    %dma_wait3A_351 = arith.constant 0 : i32
    %dma_wait3A_352 = tpu.memref_slice %arg6[%add3A_330, %dma_wait3A_351] : memref<8192x256xi32, #tpu.memory_space<hbm>> -> memref<128x256xi32, #tpu.memory_space<hbm>>
    %dma_wait3A_353 = arith.constant 0 : i32
    %dma_wait3A_354 = tpu.memref_slice %arg6[%add3A_330, %dma_wait3A_353] : memref<8192x256xi32, #tpu.memory_space<hbm>> -> memref<128x256xi32, #tpu.memory_space<hbm>>
    tpu.wait_dma2 semaphore(%arg14 : memref<!tpu.dma_semaphore, #tpu.memory_space<semaphore_mem>>) src(%arg10 : memref<128x256xi32, #tpu.memory_space<vmem>>) dst(%dma_wait3A_354 : memref<128x256xi32, #tpu.memory_space<hbm>>)
    %dma_start3A_355 = arith.constant 0 : i32
    %dma_start3A_356 = tpu.memref_slice %arg9[%dma_start3A_355] : memref<256xi32, #tpu.memory_space<vmem>> -> memref<128xi32, #tpu.memory_space<vmem>>
    %dma_start3A_357 = arith.constant 0 : i32
    %dma_start3A_358 = arith.constant 0 : i32
    %dma_start3A_359 = tpu.memref_slice %arg3[%dma_start3A_357, %dma_start3A_358] : memref<8192x256xi32, #tpu.memory_space<hbm>> -> memref<8192x256xi32, #tpu.memory_space<hbm>>
    tpu.enqueue_indirect_dma source(%dma_start3A_359 : memref<8192x256xi32, #tpu.memory_space<hbm>>) target(%arg10 : memref<128x256xi32, #tpu.memory_space<vmem>>) offsets(%dma_start3A_356 : memref<128xi32, #tpu.memory_space<vmem>>) semaphore(%arg12 : memref<!tpu.dma_semaphore, #tpu.memory_space<semaphore_mem>>)
    %dma_wait3A_360 = arith.constant 0 : i32
    %dma_wait3A_361 = tpu.memref_slice %arg9[%dma_wait3A_360] : memref<256xi32, #tpu.memory_space<vmem>> -> memref<128xi32, #tpu.memory_space<vmem>>
    %dma_wait3A_362 = arith.constant 0 : i32
    %dma_wait3A_363 = arith.constant 0 : i32
    %dma_wait3A_364 = tpu.memref_slice %arg3[%dma_wait3A_362, %dma_wait3A_363] : memref<8192x256xi32, #tpu.memory_space<hbm>> -> memref<8192x256xi32, #tpu.memory_space<hbm>>
    tpu.wait_indirect_dma semaphore(%arg12 : memref<!tpu.dma_semaphore, #tpu.memory_space<semaphore_mem>>) src(%dma_wait3A_364 : memref<8192x256xi32, #tpu.memory_space<hbm>>) dst(%arg10 : memref<128x256xi32, #tpu.memory_space<vmem>>)
    %add3A_365 = arith.constant 0 : i32
    %add3A_366 = arith.addi %mul3A_2, %add3A_365 : i32
    %dma_start3A_367 = arith.constant 0 : i32
    %dma_start3A_368 = tpu.memref_slice %arg7[%add3A_366, %dma_start3A_367] : memref<8192x256xi32, #tpu.memory_space<hbm>> -> memref<128x256xi32, #tpu.memory_space<hbm>>
    %dma_start3A_369 = arith.constant 0 : i32
    %dma_start3A_370 = tpu.memref_slice %arg7[%add3A_366, %dma_start3A_369] : memref<8192x256xi32, #tpu.memory_space<hbm>> -> memref<128x256xi32, #tpu.memory_space<hbm>>
    tpu.enqueue_dma source(%arg10 : memref<128x256xi32, #tpu.memory_space<vmem>>) target(%dma_start3A_370 : memref<128x256xi32, #tpu.memory_space<hbm>>) target_semaphore(%arg14 : memref<!tpu.dma_semaphore, #tpu.memory_space<semaphore_mem>>)
    %dma_wait3A_371 = arith.constant 0 : i32
    %dma_wait3A_372 = tpu.memref_slice %arg6[%add3A_346, %dma_wait3A_371] : memref<8192x256xi32, #tpu.memory_space<hbm>> -> memref<128x256xi32, #tpu.memory_space<hbm>>
    %dma_wait3A_373 = arith.constant 0 : i32
    %dma_wait3A_374 = tpu.memref_slice %arg6[%add3A_346, %dma_wait3A_373] : memref<8192x256xi32, #tpu.memory_space<hbm>> -> memref<128x256xi32, #tpu.memory_space<hbm>>
    tpu.wait_dma2 semaphore(%arg15 : memref<!tpu.dma_semaphore, #tpu.memory_space<semaphore_mem>>) src(%arg11 : memref<128x256xi32, #tpu.memory_space<vmem>>) dst(%dma_wait3A_374 : memref<128x256xi32, #tpu.memory_space<hbm>>)
    %dma_start3A_375 = arith.constant 128 : i32
    %dma_start3A_376 = tpu.memref_slice %arg9[%dma_start3A_375] : memref<256xi32, #tpu.memory_space<vmem>> -> memref<128xi32, #tpu.memory_space<vmem>>
    %dma_start3A_377 = arith.constant 0 : i32
    %dma_start3A_378 = arith.constant 0 : i32
    %dma_start3A_379 = tpu.memref_slice %arg3[%dma_start3A_377, %dma_start3A_378] : memref<8192x256xi32, #tpu.memory_space<hbm>> -> memref<8192x256xi32, #tpu.memory_space<hbm>>
    tpu.enqueue_indirect_dma source(%dma_start3A_379 : memref<8192x256xi32, #tpu.memory_space<hbm>>) target(%arg11 : memref<128x256xi32, #tpu.memory_space<vmem>>) offsets(%dma_start3A_376 : memref<128xi32, #tpu.memory_space<vmem>>) semaphore(%arg13 : memref<!tpu.dma_semaphore, #tpu.memory_space<semaphore_mem>>)
    %dma_wait3A_380 = arith.constant 128 : i32
    %dma_wait3A_381 = tpu.memref_slice %arg9[%dma_wait3A_380] : memref<256xi32, #tpu.memory_space<vmem>> -> memref<128xi32, #tpu.memory_space<vmem>>
    %dma_wait3A_382 = arith.constant 0 : i32
    %dma_wait3A_383 = arith.constant 0 : i32
    %dma_wait3A_384 = tpu.memref_slice %arg3[%dma_wait3A_382, %dma_wait3A_383] : memref<8192x256xi32, #tpu.memory_space<hbm>> -> memref<8192x256xi32, #tpu.memory_space<hbm>>
    tpu.wait_indirect_dma semaphore(%arg13 : memref<!tpu.dma_semaphore, #tpu.memory_space<semaphore_mem>>) src(%dma_wait3A_384 : memref<8192x256xi32, #tpu.memory_space<hbm>>) dst(%arg11 : memref<128x256xi32, #tpu.memory_space<vmem>>)
    %add3A_385 = arith.constant 128 : i32
    %add3A_386 = arith.addi %mul3A_2, %add3A_385 : i32
    %dma_start3A_387 = arith.constant 0 : i32
    %dma_start3A_388 = tpu.memref_slice %arg7[%add3A_386, %dma_start3A_387] : memref<8192x256xi32, #tpu.memory_space<hbm>> -> memref<128x256xi32, #tpu.memory_space<hbm>>
    %dma_start3A_389 = arith.constant 0 : i32
    %dma_start3A_390 = tpu.memref_slice %arg7[%add3A_386, %dma_start3A_389] : memref<8192x256xi32, #tpu.memory_space<hbm>> -> memref<128x256xi32, #tpu.memory_space<hbm>>
    tpu.enqueue_dma source(%arg11 : memref<128x256xi32, #tpu.memory_space<vmem>>) target(%dma_start3A_390 : memref<128x256xi32, #tpu.memory_space<hbm>>) target_semaphore(%arg15 : memref<!tpu.dma_semaphore, #tpu.memory_space<semaphore_mem>>)
    %dma_wait3A_391 = arith.constant 0 : i32
    %dma_wait3A_392 = tpu.memref_slice %arg7[%add3A_366, %dma_wait3A_391] : memref<8192x256xi32, #tpu.memory_space<hbm>> -> memref<128x256xi32, #tpu.memory_space<hbm>>
    %dma_wait3A_393 = arith.constant 0 : i32
    %dma_wait3A_394 = tpu.memref_slice %arg7[%add3A_366, %dma_wait3A_393] : memref<8192x256xi32, #tpu.memory_space<hbm>> -> memref<128x256xi32, #tpu.memory_space<hbm>>
    tpu.wait_dma2 semaphore(%arg14 : memref<!tpu.dma_semaphore, #tpu.memory_space<semaphore_mem>>) src(%arg10 : memref<128x256xi32, #tpu.memory_space<vmem>>) dst(%dma_wait3A_394 : memref<128x256xi32, #tpu.memory_space<hbm>>)
    %dma_wait3A_395 = arith.constant 0 : i32
    %dma_wait3A_396 = tpu.memref_slice %arg7[%add3A_386, %dma_wait3A_395] : memref<8192x256xi32, #tpu.memory_space<hbm>> -> memref<128x256xi32, #tpu.memory_space<hbm>>
    %dma_wait3A_397 = arith.constant 0 : i32
    %dma_wait3A_398 = tpu.memref_slice %arg7[%add3A_386, %dma_wait3A_397] : memref<8192x256xi32, #tpu.memory_space<hbm>> -> memref<128x256xi32, #tpu.memory_space<hbm>>
    tpu.wait_dma2 semaphore(%arg15 : memref<!tpu.dma_semaphore, #tpu.memory_space<semaphore_mem>>) src(%arg11 : memref<128x256xi32, #tpu.memory_space<vmem>>) dst(%dma_wait3A_398 : memref<128x256xi32, #tpu.memory_space<hbm>>)
    return
  }
}

module attributes {stable_mosaic.version = 14 : i64} {
  func.func @_dense_pre_body(%arg0: i32, %arg1: memref<16xi32, #tpu.memory_space<smem>>, %arg2: memref<16xi32, #tpu.memory_space<smem>>, %arg3: memref<1x512x512xf32, #tpu.memory_space<vmem>>, %arg4: memref<1x512x512xf32, #tpu.memory_space<vmem>>, %arg5: memref<512x256xf32, #tpu.memory_space<vmem>>, %arg6: memref<51x256xf32, #tpu.memory_space<vmem>>, %arg7: memref<256x512xf32, #tpu.memory_space<vmem>>, %arg8: memref<512xf32, #tpu.memory_space<vmem>>, %arg9: memref<512x512xf32, #tpu.memory_space<vmem>>, %arg10: memref<16x512xi32, #tpu.memory_space<vmem>>, %arg11: memref<16x512xi32, #tpu.memory_space<vmem>>, %arg12: memref<1x1x128xf32, #tpu.memory_space<vmem>>, %arg13: memref<512x256xi32, #tpu.memory_space<vmem>>, %arg14: memref<512x256xi32, #tpu.memory_space<vmem>>, %arg15: memref<512x256xi32, #tpu.memory_space<vmem>>) attributes {dimension_semantics = [#tpu.dimension_semantics<arbitrary>], iteration_bounds = array<i64: 16>, scalar_prefetch = 2 : i64, scratch_operands = 0 : i64, tpu.core_type = #tpu.core_type<tc>, window_params = [{transform_indices = @transform_0, window_bounds = array<i64: 1, 512, 512>}, {transform_indices = @transform_1, window_bounds = array<i64: 1, 512, 512>}, {pipeline_mode = #tpu.pipeline_mode<synchronous>, transform_indices = @transform_2, window_bounds = array<i64: 512, 256>}, {pipeline_mode = #tpu.pipeline_mode<synchronous>, transform_indices = @transform_3, window_bounds = array<i64: 51, 256>}, {pipeline_mode = #tpu.pipeline_mode<synchronous>, transform_indices = @transform_4, window_bounds = array<i64: 256, 512>}, {pipeline_mode = #tpu.pipeline_mode<synchronous>, transform_indices = @transform_5, window_bounds = array<i64: 512>}, {pipeline_mode = #tpu.pipeline_mode<synchronous>, transform_indices = @transform_6, window_bounds = array<i64: 512, 512>}, {pipeline_mode = #tpu.pipeline_mode<synchronous>, transform_indices = @transform_7, window_bounds = array<i64: 16, 512>}, {pipeline_mode = #tpu.pipeline_mode<synchronous>, transform_indices = @transform_8, window_bounds = array<i64: 16, 512>}, {transform_indices = @transform_9, window_bounds = array<i64: 1, 1, 128>}, {transform_indices = @transform_10, window_bounds = array<i64: 512, 256>}, {transform_indices = @transform_11, window_bounds = array<i64: 512, 256>}, {transform_indices = @transform_12, window_bounds = array<i64: 512, 256>}]} {
    %get3A = arith.constant 0 : index
    %get3A_0 = arith.constant 0 : index
    %get3A_1 = arith.constant 0 : index
    %get3A_2 = vector.load %arg3[%get3A, %get3A_0, %get3A_1] : memref<1x512x512xf32, #tpu.memory_space<vmem>>, vector<1x512x512xf32>
    %get3A_3 = vector.shape_cast %get3A_2 : vector<1x512x512xf32> to vector<512x512xf32>
    %transpose3A = tpu.transpose %get3A_3, [1, 0] : vector<512x512xf32> -> vector<512x512xf32>
    %get3A_4 = arith.constant 0 : index
    %get3A_5 = arith.constant 0 : index
    %get3A_6 = arith.constant 0 : index
    %get3A_7 = vector.load %arg4[%get3A_4, %get3A_5, %get3A_6] : memref<1x512x512xf32, #tpu.memory_space<vmem>>, vector<1x512x512xf32>
    %get3A_8 = vector.shape_cast %get3A_7 : vector<1x512x512xf32> to vector<512x512xf32>
    %transpose3A_9 = tpu.transpose %get3A_8, [1, 0] : vector<512x512xf32> -> vector<512x512xf32>
    %bitcast_convert_type3A = tpu.bitcast %transpose3A : vector<512x512xf32> -> vector<512x512xi32>
    %add3A = arith.constant 32767 : i32
    %add3A_10 = vector.broadcast %add3A : i32 to vector<512x512xi32>
    %add3A_11 = arith.addi %bitcast_convert_type3A, %add3A_10 : vector<512x512xi32>
    %shift_right_logical3A = arith.constant 16 : i32
    %shift_right_logical3A_12 = vector.broadcast %shift_right_logical3A : i32 to vector<512x512xi32>
    %shift_right_logical3A_13 = arith.shrui %bitcast_convert_type3A, %shift_right_logical3A_12 : vector<512x512xi32>
    %and3A = arith.constant 1 : i32
    %and3A_14 = vector.broadcast %and3A : i32 to vector<512x512xi32>
    %and3A_15 = arith.andi %shift_right_logical3A_13, %and3A_14 : vector<512x512xi32>
    %add3A_16 = arith.addi %add3A_11, %and3A_15 : vector<512x512xi32>
    %shift_right_logical3A_17 = arith.constant 16 : i32
    %shift_right_logical3A_18 = vector.broadcast %shift_right_logical3A_17 : i32 to vector<512x512xi32>
    %shift_right_logical3A_19 = arith.shrui %add3A_16, %shift_right_logical3A_18 : vector<512x512xi32>
    %slice3A = vector.extract_strided_slice %shift_right_logical3A_19 {offsets = [0, 256], sizes = [512, 256], strides = [1, 1]} : vector<512x512xi32> to vector<512x256xi32>
    %shift_left3A = arith.constant 16 : i32
    %shift_left3A_20 = vector.broadcast %shift_left3A : i32 to vector<512x256xi32>
    %shift_left3A_21 = arith.shli %slice3A, %shift_left3A_20 : vector<512x256xi32>
    %slice3A_22 = vector.extract_strided_slice %shift_right_logical3A_19 {offsets = [0, 0], sizes = [512, 256], strides = [1, 1]} : vector<512x512xi32> to vector<512x256xi32>
    %or3A = arith.ori %shift_left3A_21, %slice3A_22 : vector<512x256xi32>
    %swap3A = arith.constant 0 : index
    %swap3A_23 = arith.constant 0 : index
    %swap3A_24 = vector.load %arg14[%swap3A, %swap3A_23] : memref<512x256xi32, #tpu.memory_space<vmem>>, vector<512x256xi32>
    tpu.vector_store %arg14[%swap3A, %swap3A_23], %or3A {strides = array<i32>} : memref<512x256xi32, #tpu.memory_space<vmem>>, vector<512x256xi32>,
    %bitcast_convert_type3A_25 = tpu.bitcast %transpose3A_9 : vector<512x512xf32> -> vector<512x512xi32>
    %add3A_26 = arith.constant 32767 : i32
    %add3A_27 = vector.broadcast %add3A_26 : i32 to vector<512x512xi32>
    %add3A_28 = arith.addi %bitcast_convert_type3A_25, %add3A_27 : vector<512x512xi32>
    %shift_right_logical3A_29 = arith.constant 16 : i32
    %shift_right_logical3A_30 = vector.broadcast %shift_right_logical3A_29 : i32 to vector<512x512xi32>
    %shift_right_logical3A_31 = arith.shrui %bitcast_convert_type3A_25, %shift_right_logical3A_30 : vector<512x512xi32>
    %and3A_32 = arith.constant 1 : i32
    %and3A_33 = vector.broadcast %and3A_32 : i32 to vector<512x512xi32>
    %and3A_34 = arith.andi %shift_right_logical3A_31, %and3A_33 : vector<512x512xi32>
    %add3A_35 = arith.addi %add3A_28, %and3A_34 : vector<512x512xi32>
    %shift_right_logical3A_36 = arith.constant 16 : i32
    %shift_right_logical3A_37 = vector.broadcast %shift_right_logical3A_36 : i32 to vector<512x512xi32>
    %shift_right_logical3A_38 = arith.shrui %add3A_35, %shift_right_logical3A_37 : vector<512x512xi32>
    %slice3A_39 = vector.extract_strided_slice %shift_right_logical3A_38 {offsets = [0, 256], sizes = [512, 256], strides = [1, 1]} : vector<512x512xi32> to vector<512x256xi32>
    %shift_left3A_40 = arith.constant 16 : i32
    %shift_left3A_41 = vector.broadcast %shift_left3A_40 : i32 to vector<512x256xi32>
    %shift_left3A_42 = arith.shli %slice3A_39, %shift_left3A_41 : vector<512x256xi32>
    %slice3A_43 = vector.extract_strided_slice %shift_right_logical3A_38 {offsets = [0, 0], sizes = [512, 256], strides = [1, 1]} : vector<512x512xi32> to vector<512x256xi32>
    %or3A_44 = arith.ori %shift_left3A_42, %slice3A_43 : vector<512x256xi32>
    %swap3A_45 = arith.constant 0 : index
    %swap3A_46 = arith.constant 0 : index
    %swap3A_47 = vector.load %arg15[%swap3A_45, %swap3A_46] : memref<512x256xi32, #tpu.memory_space<vmem>>, vector<512x256xi32>
    tpu.vector_store %arg15[%swap3A_45, %swap3A_46], %or3A_44 {strides = array<i32>} : memref<512x256xi32, #tpu.memory_space<vmem>>, vector<512x256xi32>,
    %get3A_48 = arith.index_cast %arg0 : i32 to index
    %get3A_49 = memref.load %arg2[%get3A_48] : memref<16xi32, #tpu.memory_space<smem>>
    %convert_element_type3A = arith.sitofp %get3A_49 : i32 to f32
    %get3A_50 = arith.index_cast %arg0 : i32 to index
    %get3A_51 = arith.constant 0 : index
    %get3A_52 = vector.load %arg10[%get3A_50, %get3A_51] : memref<16x512xi32, #tpu.memory_space<vmem>>, vector<1x512xi32>
    %get3A_53 = vector.shape_cast %get3A_52 : vector<1x512xi32> to vector<512xi32>
    %reshape3A = vector.shape_cast %get3A_53 : vector<512xi32> to vector<512x1xi32>
    %get3A_54 = arith.index_cast %arg0 : i32 to index
    %get3A_55 = arith.constant 0 : index
    %get3A_56 = vector.load %arg11[%get3A_54, %get3A_55] : memref<16x512xi32, #tpu.memory_space<vmem>>, vector<1x512xi32>
    %get3A_57 = vector.shape_cast %get3A_56 : vector<1x512xi32> to vector<512xi32>
    %reshape3A_58 = vector.shape_cast %get3A_57 : vector<512xi32> to vector<512x1xi32>
    %iota3A = tpu.iota {dimensions = array<i32: 1>} : vector<512x512xi32>
    %eq3A = vector.broadcast %reshape3A : vector<512x1xi32> to vector<512x512xi32>
    %eq3A_59 = arith.cmpi eq, %iota3A, %eq3A : vector<512x512xi32>
    %convert_element_type3A_60 = arith.extui %eq3A_59 : vector<512x512xi1> to vector<512x512xi32>
    %convert_element_type3A_61 = arith.sitofp %convert_element_type3A_60 : vector<512x512xi32> to vector<512x512xf32>
    %convert_element_type3A_62 = arith.truncf %convert_element_type3A_61 : vector<512x512xf32> to vector<512x512xbf16>
    %eq3A_63 = vector.broadcast %reshape3A_58 : vector<512x1xi32> to vector<512x512xi32>
    %eq3A_64 = arith.cmpi eq, %iota3A, %eq3A_63 : vector<512x512xi32>
    %convert_element_type3A_65 = arith.extui %eq3A_64 : vector<512x512xi1> to vector<512x512xi32>
    %convert_element_type3A_66 = arith.sitofp %convert_element_type3A_65 : vector<512x512xi32> to vector<512x512xf32>
    %get3A_67 = arith.constant 0 : index
    %get3A_68 = arith.constant 0 : index
    %get3A_69 = vector.load %arg5[%get3A_67, %get3A_68] : memref<512x256xf32, #tpu.memory_space<vmem>>, vector<512x256xf32>
    %convert_element_type3A_70 = arith.truncf %get3A_69 : vector<512x256xf32> to vector<512x256xbf16>
    %dot_general3A = arith.constant dense<0.000000e+00> : vector<512x256xf32>
    %dot_general3A_71 = tpu.matmul %convert_element_type3A_62, %convert_element_type3A_70, %dot_general3A {dimension_numbers = #tpu.dot_dimension_numbers<[1], [0], [0], [1], [0, 0, 1, 1], [], []>, transpose_lhs_hint = false} : vector<512x512xbf16>, vector<512x256xbf16>, vector<512x256xf32> -> vector<512x256xf32>
    %get3A_72 = arith.index_cast %arg0 : i32 to index
    %get3A_73 = memref.load %arg1[%get3A_72] : memref<16xi32, #tpu.memory_space<smem>>
    %get3A_74 = arith.index_cast %get3A_73 : i32 to index
    %get3A_75 = arith.constant 0 : index
    %get3A_76 = vector.load %arg6[%get3A_74, %get3A_75] : memref<51x256xf32, #tpu.memory_space<vmem>>, vector<1x256xf32>
    %get3A_77 = vector.shape_cast %get3A_76 : vector<1x256xf32> to vector<256xf32>
    %broadcast_in_dim3A = vector.shape_cast %get3A_77 : vector<256xf32> to vector<1x256xf32>
    %add3A_78 = vector.broadcast %broadcast_in_dim3A : vector<1x256xf32> to vector<512x256xf32>
    %add3A_79 = arith.addf %dot_general3A_71, %add3A_78 : vector<512x256xf32>
    %convert_element_type3A_80 = arith.truncf %add3A_79 : vector<512x256xf32> to vector<512x256xbf16>
    %get3A_81 = arith.constant 0 : index
    %get3A_82 = arith.constant 0 : index
    %get3A_83 = vector.load %arg7[%get3A_81, %get3A_82] : memref<256x512xf32, #tpu.memory_space<vmem>>, vector<256x512xf32>
    %convert_element_type3A_84 = arith.truncf %get3A_83 : vector<256x512xf32> to vector<256x512xbf16>
    %dot_general3A_85 = arith.constant dense<0.000000e+00> : vector<512x512xf32>
    %dot_general3A_86 = tpu.matmul %convert_element_type3A_80, %convert_element_type3A_84, %dot_general3A_85 {dimension_numbers = #tpu.dot_dimension_numbers<[1], [0], [0], [1], [0, 0, 1, 1], [], []>, transpose_lhs_hint = false} : vector<512x256xbf16>, vector<256x512xbf16>, vector<512x512xf32> -> vector<512x512xf32>
    %get3A_87 = arith.constant 0 : index
    %get3A_88 = vector.load %arg8[%get3A_87] : memref<512xf32, #tpu.memory_space<vmem>>, vector<512xf32>
    %broadcast_in_dim3A_89 = vector.shape_cast %get3A_88 : vector<512xf32> to vector<1x512xf32>
    %add3A_90 = vector.broadcast %broadcast_in_dim3A_89 : vector<1x512xf32> to vector<512x512xf32>
    %add3A_91 = arith.addf %dot_general3A_86, %add3A_90 : vector<512x512xf32>
    %reduce_max3A = arith.constant dense<0xFF800000> : vector<512xf32>
    %reduce_max3A_92 = vector.multi_reduction <maximumf>, %add3A_91, %reduce_max3A [1] : vector<512x512xf32> to vector<512xf32>
    %broadcast_in_dim3A_93 = vector.shape_cast %reduce_max3A_92 : vector<512xf32> to vector<512x1xf32>
    %sub3A = vector.broadcast %broadcast_in_dim3A_93 : vector<512x1xf32> to vector<512x512xf32>
    %sub3A_94 = arith.subf %add3A_91, %sub3A : vector<512x512xf32>
    %exp3A = math.exp %sub3A_94 : vector<512x512xf32>
    %reduce_sum3A = arith.constant dense<0.000000e+00> : vector<512xf32>
    %reduce_sum3A_95 = vector.multi_reduction <add>, %exp3A, %reduce_sum3A [1] : vector<512x512xf32> to vector<512xf32>
    %broadcast_in_dim3A_96 = vector.shape_cast %reduce_sum3A_95 : vector<512xf32> to vector<512x1xf32>
    %div3A = vector.broadcast %broadcast_in_dim3A_96 : vector<512x1xf32> to vector<512x512xf32>
    %div3A_97 = arith.divf %exp3A, %div3A : vector<512x512xf32>
    %log3A = math.log %broadcast_in_dim3A_96 : vector<512x1xf32>
    %add3A_98 = arith.addf %broadcast_in_dim3A_93, %log3A : vector<512x1xf32>
    %sub3A_99 = vector.broadcast %add3A_98 : vector<512x1xf32> to vector<512x512xf32>
    %sub3A_100 = arith.subf %add3A_91, %sub3A_99 : vector<512x512xf32>
    %mul3A = arith.mulf %convert_element_type3A_66, %sub3A_100 : vector<512x512xf32>
    %reduce_sum3A_101 = arith.constant dense<0.000000e+00> : vector<512xf32>
    %reduce_sum3A_102 = vector.multi_reduction <add>, %mul3A, %reduce_sum3A_101 [1] : vector<512x512xf32> to vector<512xf32>
    %broadcast_in_dim3A_103 = vector.shape_cast %reduce_sum3A_102 : vector<512xf32> to vector<512x1xf32>
    %neg3A = arith.constant 0.000000e+00 : f32
    %neg3A_104 = vector.broadcast %neg3A : f32 to vector<512x1xf32>
    %neg3A_105 = arith.subf %neg3A_104, %broadcast_in_dim3A_103 : vector<512x1xf32>
    %iota3A_106 = tpu.iota {dimensions = array<i32: 0>} : vector<512x1xi32>
    %lt3A = vector.broadcast %get3A_49 : i32 to vector<512x1xi32>
    %lt3A_107 = arith.cmpi slt, %iota3A_106, %lt3A : vector<512x1xi32>
    %convert_element_type3A_108 = arith.extui %lt3A_107 : vector<512x1xi1> to vector<512x1xi32>
    %convert_element_type3A_109 = arith.sitofp %convert_element_type3A_108 : vector<512x1xi32> to vector<512x1xf32>
    %mul3A_110 = arith.mulf %neg3A_105, %convert_element_type3A_109 : vector<512x1xf32>
    %reduce_sum3A_111 = vector.shape_cast %mul3A_110 : vector<512x1xf32> to vector<1x512x1xf32>
    %reduce_sum3A_112 = arith.constant dense<0.000000e+00> : vector<1xf32>
    %reduce_sum3A_113 = vector.multi_reduction <add>, %reduce_sum3A_111, %reduce_sum3A_112 [1, 2] : vector<1x512x1xf32> to vector<1xf32>
    %reduce_sum3A_114 = vector.shape_cast %reduce_sum3A_113 : vector<1xf32> to vector<1x1x1xf32>
    %reduce_sum3A_115 = vector.extract %reduce_sum3A_114[0, 0, 0] : f32 from vector<1x1x1xf32>
    %div3A_116 = arith.divf %reduce_sum3A_115, %convert_element_type3A : f32
    %convert_element_type3A_117 = arith.truncf %div3A_97 : vector<512x512xf32> to vector<512x512xbf16>
    %convert_element_type3A_118 = arith.truncf %transpose3A_9 : vector<512x512xf32> to vector<512x512xbf16>
    %dot_general3A_119 = arith.constant dense<0.000000e+00> : vector<512x512xf32>
    %dot_general3A_120 = tpu.matmul %convert_element_type3A_117, %convert_element_type3A_118, %dot_general3A_119 {dimension_numbers = #tpu.dot_dimension_numbers<[1], [0], [0], [1], [0, 0, 1, 1], [], []>, transpose_lhs_hint = false} : vector<512x512xbf16>, vector<512x512xbf16>, vector<512x512xf32> -> vector<512x512xf32>
    %bitcast_convert_type3A_121 = tpu.bitcast %dot_general3A_120 : vector<512x512xf32> -> vector<512x512xi32>
    %add3A_122 = arith.constant 32767 : i32
    %add3A_123 = vector.broadcast %add3A_122 : i32 to vector<512x512xi32>
    %add3A_124 = arith.addi %bitcast_convert_type3A_121, %add3A_123 : vector<512x512xi32>
    %shift_right_logical3A_125 = arith.constant 16 : i32
    %shift_right_logical3A_126 = vector.broadcast %shift_right_logical3A_125 : i32 to vector<512x512xi32>
    %shift_right_logical3A_127 = arith.shrui %bitcast_convert_type3A_121, %shift_right_logical3A_126 : vector<512x512xi32>
    %and3A_128 = arith.constant 1 : i32
    %and3A_129 = vector.broadcast %and3A_128 : i32 to vector<512x512xi32>
    %and3A_130 = arith.andi %shift_right_logical3A_127, %and3A_129 : vector<512x512xi32>
    %add3A_131 = arith.addi %add3A_124, %and3A_130 : vector<512x512xi32>
    %shift_right_logical3A_132 = arith.constant 16 : i32
    %shift_right_logical3A_133 = vector.broadcast %shift_right_logical3A_132 : i32 to vector<512x512xi32>
    %shift_right_logical3A_134 = arith.shrui %add3A_131, %shift_right_logical3A_133 : vector<512x512xi32>
    %slice3A_135 = vector.extract_strided_slice %shift_right_logical3A_134 {offsets = [0, 256], sizes = [512, 256], strides = [1, 1]} : vector<512x512xi32> to vector<512x256xi32>
    %shift_left3A_136 = arith.constant 16 : i32
    %shift_left3A_137 = vector.broadcast %shift_left3A_136 : i32 to vector<512x256xi32>
    %shift_left3A_138 = arith.shli %slice3A_135, %shift_left3A_137 : vector<512x256xi32>
    %slice3A_139 = vector.extract_strided_slice %shift_right_logical3A_134 {offsets = [0, 0], sizes = [512, 256], strides = [1, 1]} : vector<512x512xi32> to vector<512x256xi32>
    %or3A_140 = arith.ori %shift_left3A_138, %slice3A_139 : vector<512x256xi32>
    %swap3A_141 = arith.constant 0 : index
    %swap3A_142 = arith.constant 0 : index
    %swap3A_143 = vector.load %arg13[%swap3A_141, %swap3A_142] : memref<512x256xi32, #tpu.memory_space<vmem>>, vector<512x256xi32>
    tpu.vector_store %arg13[%swap3A_141, %swap3A_142], %or3A_140 {strides = array<i32>} : memref<512x256xi32, #tpu.memory_space<vmem>>, vector<512x256xi32>,
    %add3A_144 = arith.constant 9.99999997E-7 : f32
    %add3A_145 = vector.broadcast %add3A_144 : f32 to vector<512x512xf32>
    %add3A_146 = arith.addf %div3A_97, %add3A_145 : vector<512x512xf32>
    %log3A_147 = math.log %add3A_146 : vector<512x512xf32>
    %convert_element_type3A_148 = arith.truncf %log3A_147 : vector<512x512xf32> to vector<512x512xbf16>
    %get3A_149 = arith.constant 0 : index
    %get3A_150 = arith.constant 0 : index
    %get3A_151 = vector.load %arg9[%get3A_149, %get3A_150] : memref<512x512xf32, #tpu.memory_space<vmem>>, vector<512x512xf32>
    %convert_element_type3A_152 = arith.truncf %get3A_151 : vector<512x512xf32> to vector<512x512xbf16>
    %dot_general3A_153 = arith.constant dense<0.000000e+00> : vector<512x512xf32>
    %dot_general3A_154 = tpu.matmul %convert_element_type3A_148, %convert_element_type3A_152, %dot_general3A_153 {dimension_numbers = #tpu.dot_dimension_numbers<[1], [1], [0], [0], [0, 0, 1, 0], [], []>, transpose_lhs_hint = false} : vector<512x512xbf16>, vector<512x512xbf16>, vector<512x512xf32> -> vector<512x512xf32>
    %slice3A_155 = vector.extract_strided_slice %iota3A_106 {offsets = [0, 0], sizes = [511, 1], strides = [1, 1]} : vector<512x1xi32> to vector<511x1xi32>
    %sub3A_156 = arith.constant 1 : i32
    %sub3A_157 = arith.subi %get3A_49, %sub3A_156 : i32
    %lt3A_158 = vector.broadcast %sub3A_157 : i32 to vector<511x1xi32>
    %lt3A_159 = arith.cmpi slt, %slice3A_155, %lt3A_158 : vector<511x1xi32>
    %convert_element_type3A_160 = arith.extui %lt3A_159 : vector<511x1xi1> to vector<511x1xi32>
    %convert_element_type3A_161 = arith.sitofp %convert_element_type3A_160 : vector<511x1xi32> to vector<511x1xf32>
    %slice3A_162 = vector.extract_strided_slice %dot_general3A_154 {offsets = [1, 0], sizes = [511, 512], strides = [1, 1]} : vector<512x512xf32> to vector<511x512xf32>
    %slice3A_163 = vector.extract_strided_slice %div3A_97 {offsets = [0, 0], sizes = [511, 512], strides = [1, 1]} : vector<512x512xf32> to vector<511x512xf32>
    %mul3A_164 = arith.mulf %slice3A_162, %slice3A_163 : vector<511x512xf32>
    %reduce_sum3A_165 = arith.constant dense<0.000000e+00> : vector<511xf32>
    %reduce_sum3A_166 = vector.multi_reduction <add>, %mul3A_164, %reduce_sum3A_165 [1] : vector<511x512xf32> to vector<511xf32>
    %broadcast_in_dim3A_167 = vector.shape_cast %reduce_sum3A_166 : vector<511xf32> to vector<511x1xf32>
    %slice3A_168 = vector.extract_strided_slice %dot_general3A_154 {offsets = [0, 0], sizes = [511, 512], strides = [1, 1]} : vector<512x512xf32> to vector<511x512xf32>
    %slice3A_169 = vector.extract_strided_slice %div3A_97 {offsets = [1, 0], sizes = [511, 512], strides = [1, 1]} : vector<512x512xf32> to vector<511x512xf32>
    %mul3A_170 = arith.mulf %slice3A_168, %slice3A_169 : vector<511x512xf32>
    %reduce_sum3A_171 = arith.constant dense<0.000000e+00> : vector<511xf32>
    %reduce_sum3A_172 = vector.multi_reduction <add>, %mul3A_170, %reduce_sum3A_171 [1] : vector<511x512xf32> to vector<511xf32>
    %broadcast_in_dim3A_173 = vector.shape_cast %reduce_sum3A_172 : vector<511xf32> to vector<511x1xf32>
    %mul3A_174 = arith.mulf %broadcast_in_dim3A_167, %convert_element_type3A_161 : vector<511x1xf32>
    %reduce_sum3A_175 = vector.shape_cast %mul3A_174 : vector<511x1xf32> to vector<1x511x1xf32>
    %reduce_sum3A_176 = arith.constant dense<0.000000e+00> : vector<1xf32>
    %reduce_sum3A_177 = vector.multi_reduction <add>, %reduce_sum3A_175, %reduce_sum3A_176 [1, 2] : vector<1x511x1xf32> to vector<1xf32>
    %reduce_sum3A_178 = vector.shape_cast %reduce_sum3A_177 : vector<1xf32> to vector<1x1x1xf32>
    %reduce_sum3A_179 = vector.extract %reduce_sum3A_178[0, 0, 0] : f32 from vector<1x1x1xf32>
    %mul3A_180 = arith.mulf %broadcast_in_dim3A_173, %convert_element_type3A_161 : vector<511x1xf32>
    %reduce_sum3A_181 = vector.shape_cast %mul3A_180 : vector<511x1xf32> to vector<1x511x1xf32>
    %reduce_sum3A_182 = arith.constant dense<0.000000e+00> : vector<1xf32>
    %reduce_sum3A_183 = vector.multi_reduction <add>, %reduce_sum3A_181, %reduce_sum3A_182 [1, 2] : vector<1x511x1xf32> to vector<1xf32>
    %reduce_sum3A_184 = vector.shape_cast %reduce_sum3A_183 : vector<1xf32> to vector<1x1x1xf32>
    %reduce_sum3A_185 = vector.extract %reduce_sum3A_184[0, 0, 0] : f32 from vector<1x1x1xf32>
    %add3A_186 = arith.addf %reduce_sum3A_179, %reduce_sum3A_185 : f32
    %sub3A_187 = arith.constant 1.000000e+00 : f32
    %sub3A_188 = arith.subf %convert_element_type3A, %sub3A_187 : f32
    %mul3A_189 = arith.constant 5.120000e+02 : f32
    %mul3A_190 = arith.mulf %sub3A_188, %mul3A_189 : f32
    %div3A_191 = arith.divf %add3A_186, %mul3A_190 : f32
    %iota3A_192 = tpu.iota {dimensions = array<i32: 2>} : vector<1x1x128xi32>
    %eq3A_193 = arith.constant 1 : i32
    %eq3A_194 = vector.broadcast %eq3A_193 : i32 to vector<1x1x128xi32>
    %eq3A_195 = arith.cmpi eq, %iota3A_192, %eq3A_194 : vector<1x1x128xi32>
    %eq3A_196 = arith.constant 2 : i32
    %eq3A_197 = vector.broadcast %eq3A_196 : i32 to vector<1x1x128xi32>
    %eq3A_198 = arith.cmpi eq, %iota3A_192, %eq3A_197 : vector<1x1x128xi32>
    %jit3A = arith.constant 0.000000e+00 : f32
    %broadcast_in_dim3A_199 = vector.broadcast %div3A_191 : f32 to vector<1x1x128xf32>
    %broadcast_in_dim3A_200 = vector.broadcast %jit3A : f32 to vector<1x1x128xf32>
    %select_n3A = arith.select %eq3A_198, %broadcast_in_dim3A_199, %broadcast_in_dim3A_200 : vector<1x1x128xi1>, vector<1x1x128xf32>
    %broadcast_in_dim3A_201 = vector.broadcast %div3A_116 : f32 to vector<1x1x128xf32>
    %select_n3A_202 = arith.select %eq3A_195, %broadcast_in_dim3A_201, %select_n3A : vector<1x1x128xi1>, vector<1x1x128xf32>
    %swap3A_203 = arith.constant 0 : index
    %swap3A_204 = arith.constant 0 : index
    %swap3A_205 = arith.constant 0 : index
    %swap3A_206 = vector.load %arg12[%swap3A_203, %swap3A_204, %swap3A_205] : memref<1x1x128xf32, #tpu.memory_space<vmem>>, vector<1x1x128xf32>
    tpu.vector_store %arg12[%swap3A_203, %swap3A_204, %swap3A_205], %select_n3A_202 {strides = array<i32>} : memref<1x1x128xf32, #tpu.memory_space<vmem>>, vector<1x1x128xf32>,
    return
  }
  func.func @transform_0(%arg0: i32, %arg1: memref<16xi32, #tpu.memory_space<smem>>, %arg2: memref<16xi32, #tpu.memory_space<smem>>) -> (i32, i32, i32) {
    %get3A = arith.index_cast %arg0 : i32 to index
    %get3A_0 = memref.load %arg1[%get3A] : memref<16xi32, #tpu.memory_space<smem>>
    %c0_i32 = arith.constant 0 : i32
    %c0_i32_1 = arith.constant 0 : i32
    %c0_i32_2 = arith.constant 0 : i32
    return %get3A_0, %c0_i32, %c0_i32_1 : i32, i32, i32
  }
  func.func @transform_1(%arg0: i32, %arg1: memref<16xi32, #tpu.memory_space<smem>>, %arg2: memref<16xi32, #tpu.memory_space<smem>>) -> (i32, i32, i32) {
    %get3A = arith.index_cast %arg0 : i32 to index
    %get3A_0 = memref.load %arg1[%get3A] : memref<16xi32, #tpu.memory_space<smem>>
    %sub3A = arith.constant 1 : i32
    %sub3A_1 = arith.subi %get3A_0, %sub3A : i32
    %c0_i32 = arith.constant 0 : i32
    %c0_i32_2 = arith.constant 0 : i32
    %c0_i32_3 = arith.constant 0 : i32
    return %sub3A_1, %c0_i32, %c0_i32_2 : i32, i32, i32
  }
  func.func @transform_2(%arg0: i32, %arg1: memref<16xi32, #tpu.memory_space<smem>>, %arg2: memref<16xi32, #tpu.memory_space<smem>>) -> (i32, i32) {
    %c0_i32 = arith.constant 0 : i32
    %c0_i32_0 = arith.constant 0 : i32
    %c0_i32_1 = arith.constant 0 : i32
    return %c0_i32, %c0_i32_0 : i32, i32
  }
  func.func @transform_3(%arg0: i32, %arg1: memref<16xi32, #tpu.memory_space<smem>>, %arg2: memref<16xi32, #tpu.memory_space<smem>>) -> (i32, i32) {
    %c0_i32 = arith.constant 0 : i32
    %c0_i32_0 = arith.constant 0 : i32
    %c0_i32_1 = arith.constant 0 : i32
    return %c0_i32, %c0_i32_0 : i32, i32
  }
  func.func @transform_4(%arg0: i32, %arg1: memref<16xi32, #tpu.memory_space<smem>>, %arg2: memref<16xi32, #tpu.memory_space<smem>>) -> (i32, i32) {
    %c0_i32 = arith.constant 0 : i32
    %c0_i32_0 = arith.constant 0 : i32
    %c0_i32_1 = arith.constant 0 : i32
    return %c0_i32, %c0_i32_0 : i32, i32
  }
  func.func @transform_5(%arg0: i32, %arg1: memref<16xi32, #tpu.memory_space<smem>>, %arg2: memref<16xi32, #tpu.memory_space<smem>>) -> i32 {
    %c0_i32 = arith.constant 0 : i32
    %c0_i32_0 = arith.constant 0 : i32
    return %c0_i32 : i32
  }
  func.func @transform_6(%arg0: i32, %arg1: memref<16xi32, #tpu.memory_space<smem>>, %arg2: memref<16xi32, #tpu.memory_space<smem>>) -> (i32, i32) {
    %c0_i32 = arith.constant 0 : i32
    %c0_i32_0 = arith.constant 0 : i32
    %c0_i32_1 = arith.constant 0 : i32
    return %c0_i32, %c0_i32_0 : i32, i32
  }
  func.func @transform_7(%arg0: i32, %arg1: memref<16xi32, #tpu.memory_space<smem>>, %arg2: memref<16xi32, #tpu.memory_space<smem>>) -> (i32, i32) {
    %c0_i32 = arith.constant 0 : i32
    %c0_i32_0 = arith.constant 0 : i32
    %c0_i32_1 = arith.constant 0 : i32
    return %c0_i32, %c0_i32_0 : i32, i32
  }
  func.func @transform_8(%arg0: i32, %arg1: memref<16xi32, #tpu.memory_space<smem>>, %arg2: memref<16xi32, #tpu.memory_space<smem>>) -> (i32, i32) {
    %c0_i32 = arith.constant 0 : i32
    %c0_i32_0 = arith.constant 0 : i32
    %c0_i32_1 = arith.constant 0 : i32
    return %c0_i32, %c0_i32_0 : i32, i32
  }
  func.func @transform_9(%arg0: i32, %arg1: memref<16xi32, #tpu.memory_space<smem>>, %arg2: memref<16xi32, #tpu.memory_space<smem>>) -> (i32, i32, i32) {
    %c0_i32 = arith.constant 0 : i32
    %c0_i32_0 = arith.constant 0 : i32
    %c0_i32_1 = arith.constant 0 : i32
    return %arg0, %c0_i32, %c0_i32_0 : i32, i32, i32
  }
  func.func @transform_10(%arg0: i32, %arg1: memref<16xi32, #tpu.memory_space<smem>>, %arg2: memref<16xi32, #tpu.memory_space<smem>>) -> (i32, i32) {
    %c0_i32 = arith.constant 0 : i32
    %c0_i32_0 = arith.constant 0 : i32
    return %arg0, %c0_i32 : i32, i32
  }
  func.func @transform_11(%arg0: i32, %arg1: memref<16xi32, #tpu.memory_space<smem>>, %arg2: memref<16xi32, #tpu.memory_space<smem>>) -> (i32, i32) {
    %c0_i32 = arith.constant 0 : i32
    %c0_i32_0 = arith.constant 0 : i32
    return %arg0, %c0_i32 : i32, i32
  }
  func.func @transform_12(%arg0: i32, %arg1: memref<16xi32, #tpu.memory_space<smem>>, %arg2: memref<16xi32, #tpu.memory_space<smem>>) -> (i32, i32) {
    %c0_i32 = arith.constant 0 : i32
    %c0_i32_0 = arith.constant 0 : i32
    return %arg0, %c0_i32 : i32, i32
  }
}

module attributes {stable_mosaic.version = 14 : i64} {
  func.func @_dense_kl_body(%arg0: i32, %arg1: memref<16xi32, #tpu.memory_space<smem>>, %arg2: memref<512x256xi32, #tpu.memory_space<vmem>>, %arg3: memref<512x256xi32, #tpu.memory_space<vmem>>, %arg4: memref<512x256xi32, #tpu.memory_space<vmem>>, %arg5: memref<1x1x128xf32, #tpu.memory_space<vmem>>) attributes {dimension_semantics = [#tpu.dimension_semantics<arbitrary>], iteration_bounds = array<i64: 16>, scalar_prefetch = 1 : i64, scratch_operands = 0 : i64, tpu.core_type = #tpu.core_type<tc>, window_params = [{transform_indices = @transform_0, window_bounds = array<i64: 512, 256>}, {transform_indices = @transform_1, window_bounds = array<i64: 512, 256>}, {transform_indices = @transform_2, window_bounds = array<i64: 512, 256>}, {transform_indices = @transform_3, window_bounds = array<i64: 1, 1, 128>}]} {
    %jit3A = arith.constant 1 : i32
    %div3A = arith.divsi %arg0, %jit3A : i32
    %sign3A = arith.constant 0 : i32
    %sign3A_0 = arith.cmpi sgt, %arg0, %sign3A : i32
    %sign3A_1 = arith.extui %sign3A_0 : i1 to i32
    %sign3A_2 = arith.constant 0 : i32
    %sign3A_3 = arith.cmpi slt, %arg0, %sign3A_2 : i32
    %sign3A_4 = arith.extui %sign3A_3 : i1 to i32
    %sign3A_5 = arith.subi %sign3A_1, %sign3A_4 : i32
    %sign3A_6 = arith.constant 0 : i32
    %sign3A_7 = arith.cmpi sgt, %jit3A, %sign3A_6 : i32
    %sign3A_8 = arith.extui %sign3A_7 : i1 to i32
    %sign3A_9 = arith.constant 0 : i32
    %sign3A_10 = arith.cmpi slt, %jit3A, %sign3A_9 : i32
    %sign3A_11 = arith.extui %sign3A_10 : i1 to i32
    %sign3A_12 = arith.subi %sign3A_8, %sign3A_11 : i32
    %ne3A = arith.cmpi ne, %sign3A_5, %sign3A_12 : i32
    %rem3A = arith.remsi %arg0, %jit3A : i32
    %ne3A_13 = arith.constant 0 : i32
    %ne3A_14 = arith.cmpi ne, %rem3A, %ne3A_13 : i32
    %and3A = arith.andi %ne3A, %ne3A_14 : i1
    %sub3A = arith.constant 1 : i32
    %sub3A_15 = arith.subi %div3A, %sub3A : i32
    %select_n3A = arith.select %and3A, %sub3A_15, %div3A : i32
    %get3A = arith.index_cast %select_n3A : i32 to index
    %get3A_16 = memref.load %arg1[%get3A] : memref<16xi32, #tpu.memory_space<smem>>
    %convert_element_type3A = arith.sitofp %get3A_16 : i32 to f32
    %get3A_17 = arith.constant 0 : index
    %get3A_18 = arith.constant 0 : index
    %get3A_19 = vector.load %arg2[%get3A_17, %get3A_18] : memref<512x256xi32, #tpu.memory_space<vmem>>, vector<512x256xi32>
    %shift_left3A = arith.constant 16 : i32
    %shift_left3A_20 = vector.broadcast %shift_left3A : i32 to vector<512x256xi32>
    %shift_left3A_21 = arith.shli %get3A_19, %shift_left3A_20 : vector<512x256xi32>
    %bitcast_convert_type3A = tpu.bitcast %shift_left3A_21 : vector<512x256xi32> -> vector<512x256xf32>
    %and3A_22 = arith.constant -65536 : i32
    %and3A_23 = vector.broadcast %and3A_22 : i32 to vector<512x256xi32>
    %and3A_24 = arith.andi %get3A_19, %and3A_23 : vector<512x256xi32>
    %bitcast_convert_type3A_25 = tpu.bitcast %and3A_24 : vector<512x256xi32> -> vector<512x256xf32>
    %concatenate3A = tpu.concatenate %bitcast_convert_type3A, %bitcast_convert_type3A_25 in 1 : vector<512x256xf32>, vector<512x256xf32> -> vector<512x512xf32>
    %get3A_26 = arith.constant 0 : index
    %get3A_27 = arith.constant 0 : index
    %get3A_28 = vector.load %arg4[%get3A_26, %get3A_27] : memref<512x256xi32, #tpu.memory_space<vmem>>, vector<512x256xi32>
    %shift_left3A_29 = arith.constant 16 : i32
    %shift_left3A_30 = vector.broadcast %shift_left3A_29 : i32 to vector<512x256xi32>
    %shift_left3A_31 = arith.shli %get3A_28, %shift_left3A_30 : vector<512x256xi32>
    %bitcast_convert_type3A_32 = tpu.bitcast %shift_left3A_31 : vector<512x256xi32> -> vector<512x256xf32>
    %and3A_33 = arith.constant -65536 : i32
    %and3A_34 = vector.broadcast %and3A_33 : i32 to vector<512x256xi32>
    %and3A_35 = arith.andi %get3A_28, %and3A_34 : vector<512x256xi32>
    %bitcast_convert_type3A_36 = tpu.bitcast %and3A_35 : vector<512x256xi32> -> vector<512x256xf32>
    %concatenate3A_37 = tpu.concatenate %bitcast_convert_type3A_32, %bitcast_convert_type3A_36 in 1 : vector<512x256xf32>, vector<512x256xf32> -> vector<512x512xf32>
    %mul3A = arith.mulf %concatenate3A, %concatenate3A_37 : vector<512x512xf32>
    %reduce_sum3A = arith.constant dense<0.000000e+00> : vector<512xf32>
    %reduce_sum3A_38 = vector.multi_reduction <add>, %mul3A, %reduce_sum3A [1] : vector<512x512xf32> to vector<512xf32>
    %broadcast_in_dim3A = vector.shape_cast %reduce_sum3A_38 : vector<512xf32> to vector<512x1xf32>
    %max3A = arith.constant 9.99999993E-9 : f32
    %max3A_39 = vector.broadcast %max3A : f32 to vector<512x1xf32>
    %max3A_40 = arith.maximumf %broadcast_in_dim3A, %max3A_39 : vector<512x1xf32>
    %div3A_41 = vector.broadcast %max3A_40 : vector<512x1xf32> to vector<512x512xf32>
    %div3A_42 = arith.divf %mul3A, %div3A_41 : vector<512x512xf32>
    %sub3A_43 = arith.constant 1.000000e+00 : f32
    %sub3A_44 = arith.constant 1.1920929E-7 : f32
    %sub3A_45 = arith.subf %sub3A_43, %sub3A_44 : f32
    %jit3A_46 = arith.constant 1.1920929E-7 : f32
    %max3A_47 = vector.broadcast %jit3A_46 : f32 to vector<512x512xf32>
    %max3A_48 = arith.maximumf %max3A_47, %div3A_42 : vector<512x512xf32>
    %min3A = vector.broadcast %sub3A_45 : f32 to vector<512x512xf32>
    %min3A_49 = arith.minimumf %min3A, %max3A_48 : vector<512x512xf32>
    %get3A_50 = arith.constant 0 : index
    %get3A_51 = arith.constant 0 : index
    %get3A_52 = vector.load %arg3[%get3A_50, %get3A_51] : memref<512x256xi32, #tpu.memory_space<vmem>>, vector<512x256xi32>
    %shift_left3A_53 = arith.constant 16 : i32
    %shift_left3A_54 = vector.broadcast %shift_left3A_53 : i32 to vector<512x256xi32>
    %shift_left3A_55 = arith.shli %get3A_52, %shift_left3A_54 : vector<512x256xi32>
    %bitcast_convert_type3A_56 = tpu.bitcast %shift_left3A_55 : vector<512x256xi32> -> vector<512x256xf32>
    %and3A_57 = arith.constant -65536 : i32
    %and3A_58 = vector.broadcast %and3A_57 : i32 to vector<512x256xi32>
    %and3A_59 = arith.andi %get3A_52, %and3A_58 : vector<512x256xi32>
    %bitcast_convert_type3A_60 = tpu.bitcast %and3A_59 : vector<512x256xi32> -> vector<512x256xf32>
    %concatenate3A_61 = tpu.concatenate %bitcast_convert_type3A_56, %bitcast_convert_type3A_60 in 1 : vector<512x256xf32>, vector<512x256xf32> -> vector<512x512xf32>
    %mul3A_62 = arith.mulf %concatenate3A, %concatenate3A_61 : vector<512x512xf32>
    %reduce_sum3A_63 = arith.constant dense<0.000000e+00> : vector<512xf32>
    %reduce_sum3A_64 = vector.multi_reduction <add>, %mul3A_62, %reduce_sum3A_63 [1] : vector<512x512xf32> to vector<512xf32>
    %broadcast_in_dim3A_65 = vector.shape_cast %reduce_sum3A_64 : vector<512xf32> to vector<512x1xf32>
    %div3A_66 = vector.broadcast %broadcast_in_dim3A_65 : vector<512x1xf32> to vector<512x512xf32>
    %div3A_67 = arith.divf %mul3A_62, %div3A_66 : vector<512x512xf32>
    %sub3A_68 = arith.constant 1.000000e+00 : f32
    %sub3A_69 = arith.constant 1.1920929E-7 : f32
    %sub3A_70 = arith.subf %sub3A_68, %sub3A_69 : f32
    %jit3A_71 = arith.constant 1.1920929E-7 : f32
    %max3A_72 = vector.broadcast %jit3A_71 : f32 to vector<512x512xf32>
    %max3A_73 = arith.maximumf %max3A_72, %div3A_67 : vector<512x512xf32>
    %min3A_74 = vector.broadcast %sub3A_70 : f32 to vector<512x512xf32>
    %min3A_75 = arith.minimumf %min3A_74, %max3A_73 : vector<512x512xf32>
    %div3A_76 = arith.divf %min3A_75, %min3A_49 : vector<512x512xf32>
    %log3A = math.log %div3A_76 : vector<512x512xf32>
    %sub3A_77 = arith.constant 9.99999997E-7 : f32
    %sub3A_78 = vector.broadcast %sub3A_77 : f32 to vector<512x512xf32>
    %sub3A_79 = arith.subf %log3A, %sub3A_78 : vector<512x512xf32>
    %mul3A_80 = arith.mulf %min3A_75, %sub3A_79 : vector<512x512xf32>
    %iota3A = tpu.iota {dimensions = array<i32: 0>} : vector<512x1xi32>
    %jit3A_81 = arith.constant 1 : i32
    %eq3A = arith.constant 0 : i32
    %eq3A_82 = arith.cmpi eq, %jit3A_81, %eq3A : i32
    %jit3A_83 = arith.constant 1 : i32
    %select_n3A_84 = arith.select %eq3A_82, %jit3A_83, %jit3A_81 : i32
    %rem3A_85 = arith.remsi %arg0, %select_n3A_84 : i32
    %ne3A_86 = arith.constant 0 : i32
    %ne3A_87 = arith.cmpi ne, %rem3A_85, %ne3A_86 : i32
    %lt3A = arith.constant 0 : i32
    %lt3A_88 = arith.cmpi slt, %rem3A_85, %lt3A : i32
    %lt3A_89 = arith.constant 0 : i32
    %lt3A_90 = arith.cmpi slt, %select_n3A_84, %lt3A_89 : i32
    %ne3A_91 = arith.xori %lt3A_88, %lt3A_90 : i1
    %and3A_92 = arith.andi %ne3A_91, %ne3A_87 : i1
    %add3A = arith.addi %rem3A_85, %select_n3A_84 : i32
    %select_n3A_93 = arith.select %and3A_92, %add3A, %rem3A_85 : i32
    %mul3A_94 = arith.constant 512 : i32
    %mul3A_95 = arith.muli %select_n3A_93, %mul3A_94 : i32
    %add3A_96 = vector.broadcast %mul3A_95 : i32 to vector<512x1xi32>
    %add3A_97 = arith.addi %iota3A, %add3A_96 : vector<512x1xi32>
    %lt3A_98 = vector.broadcast %get3A_16 : i32 to vector<512x1xi32>
    %lt3A_99 = arith.cmpi slt, %add3A_97, %lt3A_98 : vector<512x1xi32>
    %convert_element_type3A_100 = arith.extui %lt3A_99 : vector<512x1xi1> to vector<512x1xi32>
    %convert_element_type3A_101 = arith.sitofp %convert_element_type3A_100 : vector<512x1xi32> to vector<512x1xf32>
    %reduce_sum3A_102 = arith.constant dense<0.000000e+00> : vector<512xf32>
    %reduce_sum3A_103 = vector.multi_reduction <add>, %mul3A_80, %reduce_sum3A_102 [1] : vector<512x512xf32> to vector<512xf32>
    %broadcast_in_dim3A_104 = vector.shape_cast %reduce_sum3A_103 : vector<512xf32> to vector<512x1xf32>
    %mul3A_105 = arith.mulf %broadcast_in_dim3A_104, %convert_element_type3A_101 : vector<512x1xf32>
    %reduce_sum3A_106 = vector.shape_cast %mul3A_105 : vector<512x1xf32> to vector<1x512x1xf32>
    %reduce_sum3A_107 = arith.constant dense<0.000000e+00> : vector<1xf32>
    %reduce_sum3A_108 = vector.multi_reduction <add>, %reduce_sum3A_106, %reduce_sum3A_107 [1, 2] : vector<1x512x1xf32> to vector<1xf32>
    %reduce_sum3A_109 = vector.shape_cast %reduce_sum3A_108 : vector<1xf32> to vector<1x1x1xf32>
    %reduce_sum3A_110 = vector.extract %reduce_sum3A_109[0, 0, 0] : f32 from vector<1x1x1xf32>
    %div3A_111 = arith.divf %reduce_sum3A_110, %convert_element_type3A : f32
    %iota3A_112 = tpu.iota {dimensions = array<i32: 2>} : vector<1x1x128xi32>
    %eq3A_113 = arith.constant 0 : i32
    %eq3A_114 = vector.broadcast %eq3A_113 : i32 to vector<1x1x128xi32>
    %eq3A_115 = arith.cmpi eq, %iota3A_112, %eq3A_114 : vector<1x1x128xi32>
    %jit3A_116 = arith.constant 0.000000e+00 : f32
    %broadcast_in_dim3A_117 = vector.broadcast %div3A_111 : f32 to vector<1x1x128xf32>
    %broadcast_in_dim3A_118 = vector.broadcast %jit3A_116 : f32 to vector<1x1x128xf32>
    %select_n3A_119 = arith.select %eq3A_115, %broadcast_in_dim3A_117, %broadcast_in_dim3A_118 : vector<1x1x128xi1>, vector<1x1x128xf32>
    %swap3A = arith.constant 0 : index
    %swap3A_120 = arith.constant 0 : index
    %swap3A_121 = arith.constant 0 : index
    %swap3A_122 = vector.load %arg5[%swap3A, %swap3A_120, %swap3A_121] : memref<1x1x128xf32, #tpu.memory_space<vmem>>, vector<1x1x128xf32>
    tpu.vector_store %arg5[%swap3A, %swap3A_120, %swap3A_121], %select_n3A_119 {strides = array<i32>} : memref<1x1x128xf32, #tpu.memory_space<vmem>>, vector<1x1x128xf32>,
    return
  }
  func.func @transform_0(%arg0: i32, %arg1: memref<16xi32, #tpu.memory_space<smem>>) -> (i32, i32) {
    %c0_i32 = arith.constant 0 : i32
    %c0_i32_0 = arith.constant 0 : i32
    return %arg0, %c0_i32 : i32, i32
  }
  func.func @transform_1(%arg0: i32, %arg1: memref<16xi32, #tpu.memory_space<smem>>) -> (i32, i32) {
    %c0_i32 = arith.constant 0 : i32
    %c0_i32_0 = arith.constant 0 : i32
    return %arg0, %c0_i32 : i32, i32
  }
  func.func @transform_2(%arg0: i32, %arg1: memref<16xi32, #tpu.memory_space<smem>>) -> (i32, i32) {
    %c0_i32 = arith.constant 0 : i32
    %c0_i32_0 = arith.constant 0 : i32
    return %arg0, %c0_i32 : i32, i32
  }
  func.func @transform_3(%arg0: i32, %arg1: memref<16xi32, #tpu.memory_space<smem>>) -> (i32, i32, i32) {
    %c0_i32 = arith.constant 0 : i32
    %c0_i32_0 = arith.constant 0 : i32
    %c0_i32_1 = arith.constant 0 : i32
    return %arg0, %c0_i32, %c0_i32_0 : i32, i32, i32
  }
}

</mosaic_0001>

<sc_bundles>
// kernel: kernel.5.cloned.1.call-start
scs
__scs_entry_jumppad:
0x0: {  	(pc) =	sbr.rel $0x88, $3  }
0x1: {  	(tag) =	ssettag $0x0;
	lr =	simm.s32 $0x1  }
0x2: {  	[smem:$0x3F96] =	sst lr;
	_ =	strace $0xD0000000  }
0x3: {  	_ = 	snop  }
0x4: {  	_ = 	snop  }
0x5: {  	_ = 	snop  }
0x6: {  	_ = 	snop  }
0x7: {  	_ = 	snop  }
__scs_overlays_trampoline_lowered:
0x8: {  	[smem:$0x3FA5] =	sst s0  }
0x9: {  	[smem:$0x3FA6] =	sst s1  }
0xa: {  	[smem:$0x3FA7] =	sst s2  }
0xb: {  	[smem:$0x3FA8] =	sst s3  }
0xc: {  	[smem:$0x3FA9] =	sst s4  }
0xd: {  	[smem:$0x3FAA] =	sst s5  }
0xe: {  	[smem:$0x3FAB] =	sst s6  }
0xf: {  	[smem:$0x3FAC] =	sst s7  }
0x10: {  	[smem:$0x3FAD] =	sst s8  }
0x11: {  	[smem:$0x3FAE] =	sst s9;
	s0 =	simm.s32 @!p0 $0x0  }
0x12: {  	s1 =	sld [smem:$0x3F94];
	s0 =	simm.s32 @p0 $0x1  }
0x13: {  	[smem:$0x3FAF] =	sst s0;
	s0 =	simm.s32 @!p1 $0x0  }
0x14: {  	s2 =	sld [smem:$0x3F93];
	s0 =	simm.s32 @p1 $0x1  }
0x15: {  	[smem:$0x3FB0] =	sst s0;
	s0 =	simm.s32 @!p2 $0x0  }
0x16: {  	s3 =	sld [smem:$0x3FDB];
	s0 =	simm.s32 @p2 $0x1  }
0x17: {  	s4 =	simm.s32 $0x1BF5;
	[smem:$0x3FB2] =	sst s0  }
0x18: {  	s0 =	sld [smem:$0x3F95];
	_ =	swait.ge [sflag:s4], $0x0  }
0x19: {  	s7 =	sld [smem:$0x3F96]  }
0x1a: {  	s8 =	sadd.s32 $0xFFFFE003, lr  }
0x1b: {  	s9 =	sadd.s32 $0xFFFFFEF7, lr;
	s5 =	simm.s32 $0xFFFFFFFF;
	p2 =	slt.u32 s8, $0xFFFFF086  }
0x1c: {  	p1 =	slt.u32 s9, $0xF7A;
	s5 =	simm.s32 @!p2 $0x0  }
0x1d: {  	s5 =	simm.s32 @p1 $0x1;
	p0 =	seq.s32 s7, s2  }
0x1e: {  	s7 =	smul.u32 @!p0 $0xF7A, s2;
	p2 =	seq.s32 @!p0 s5, $0x0  }
0x1f: {  	s9 =	smul.u32 $0xF7A, s1;
	s8 =	simm.s32 @!p0 $0x1BF5;
	p2 =	por !p2, p0  }
0x20: {  	[sflag:s8] =	ssyncset.s32 @!p0 $0xFFFFF086;
	s6 =	sadd.s32 @!p0 s3, s7;
	s7 =	simm.s32 @!p0 $0x108  }
0x21: {  	s3 =	sadd.s32 s3, s9;
	s6 =	sadd.s32 @!p0 $0x88, s6;
	s7 =	simm.s32 @p2 $0x1082  }
0x22: {  	[simem:s7], [sflag:s8] =	dma.local @!p0 [hbm:s6], $0xF7A  }
0x23: {  	s9 =	sor.u32 $0xD0000000, s2;
	s6 =	simm.s32 $0x108;
	_ =	swait.ge @!p0 [sflag:s8], $0x0  }
0x24: {  	s3 =	sadd.s32 $0x88, s3;
	s6 =	simm.s32 @!p1 $0x1082;
	[sflag:s4] =	ssyncset.s32 $0xFFFFF086  }
0x25: {  	[simem:s6], [sflag:s4] =	dma.local [hbm:s3], $0xF7A  }
0x26: {  	[smem:$0x3F96] =	sst s1;
	(tag) =	ssettag s2;
	_ =	strace s9  }
0x27: {  	s1 =	sld [smem:$0x3FA6]  }
0x28: {  	s2 =	sld [smem:$0x3FA7]  }
0x29: {  	s4 =	sld [smem:$0x3FA9]  }
0x2a: {  	p0 =	seq.s32 s5, $0x0;
	s5 =	sld [smem:$0x3FAA]  }
0x2b: {  	s6 =	sld [smem:$0x3FAB]  }
0x2c: {  	s7 =	sld [smem:$0x3FAC]  }
0x2d: {  	s3 =	simm.s32 $0x108;
	s8 =	sld [smem:$0x3FAD]  }
0x2e: {  	s3 =	simm.s32 @!p0 $0x1082;
	s9 =	sld [smem:$0x3FAE]  }
0x2f: {  	lr =	sadd.s32 s0, s3;
	s0 =	sld [smem:$0x3FA5]  }
0x30: {  	s3 =	sld [smem:$0x3FA8]  }
0x31: {  	[smem:$0x3FB1] =	sst s10  }
0x32: {  	s10 =	sld [smem:$0x3FAF];
	_ =	sdelay $0x3  }
0x33: {  	p0 =	seq.s32 s10, $0x1;
	s10 =	sld [smem:$0x3FB1];
	_ =	sdelay $0x3  }
0x34: {  	[smem:$0x3FB1] =	sst s10  }
0x35: {  	s10 =	sld [smem:$0x3FB0];
	_ =	sdelay $0x3  }
0x36: {  	p1 =	seq.s32 s10, $0x1;
	s10 =	sld [smem:$0x3FB1];
	_ =	sdelay $0x3  }
0x37: {  	[smem:$0x3FB1] =	sst s10  }
0x38: {  	s10 =	sld [smem:$0x3FB2]  }
0x39: {  	_ = 	snop;
	(pc) =	sbr.ind lr, $3  }
0x3a: {  	_ = 	snop  }
0x3b: {  	_ = 	snop  }
0x3c: {  	p2 =	seq.s32 s10, $0x1;
	s10 =	sld [smem:$0x3FB1]  }
0x3d: {  	_ =	shalt  }
0x3e: {  	_ =	shalt  }
0x3f: {  	_ =	shalt  }
0x40: {  	_ =	shalt  }
0x41: {  	_ =	shalt  }
0x42: {  	_ =	shalt  }
0x43: {  	_ =	shalt  }
0x44: {  	_ =	shalt  }
0x45: {  	_ =	shalt  }
0x46: {  	_ =	shalt  }
0x47: {  	_ =	shalt  }
0x48: {  	_ =	shalt  }
0x49: {  	_ =	shalt  }
0x4a: {  	_ =	shalt  }
0x4b: {  	_ =	shalt  }
0x4c: {  	_ =	shalt  }
0x4d: {  	_ =	shalt  }
0x4e: {  	_ =	shalt  }
0x4f: {  	_ =	shalt  }
0x50: {  	_ =	shalt  }
0x51: {  	_ =	shalt  }
0x52: {  	_ =	shalt  }
0x53: {  	_ =	shalt  }
0x54: {  	_ =	shalt  }
0x55: {  	_ =	shalt  }
0x56: {  	_ =	shalt  }
0x57: {  	_ =	shalt  }
0x58: {  	_ =	shalt  }
0x59: {  	_ =	shalt  }
0x5a: {  	_ =	shalt  }
0x5b: {  	_ =	shalt  }
0x5c: {  	_ =	shalt  }
0x5d: {  	_ =	shalt  }
0x5e: {  	_ =	shalt  }
0x5f: {  	_ =	shalt  }
0x60: {  	_ =	shalt  }
0x61: {  	_ =	shalt  }
0x62: {  	_ =	shalt  }
0x63: {  	_ =	shalt  }
0x64: {  	_ =	shalt  }
0x65: {  	_ =	shalt  }
0x66: {  	_ =	shalt  }
0x67: {  	_ =	shalt  }
0x68: {  	_ =	shalt  }
0x69: {  	_ =	shalt  }
0x6a: {  	_ =	shalt  }
0x6b: {  	_ =	shalt  }
0x6c: {  	_ =	shalt  }
0x6d: {  	_ =	shalt  }
0x6e: {  	_ =	shalt  }
0x6f: {  	_ =	shalt  }
0x70: {  	_ =	shalt  }
0x71: {  	_ =	shalt  }
0x72: {  	_ =	shalt  }
0x73: {  	_ =	shalt  }
0x74: {  	_ =	shalt  }
0x75: {  	_ =	shalt  }
0x76: {  	_ =	shalt  }
0x77: {  	_ =	shalt  }
0x78: {  	_ =	shalt  }
0x79: {  	_ =	shalt  }
0x7a: {  	_ =	shalt  }
0x7b: {  	_ =	shalt  }
0x7c: {  	_ =	shalt  }
0x7d: {  	_ =	shalt  }
0x7e: {  	_ =	shalt  }
0x7f: {  	_ =	shalt  }
0x80: {  	_ =	shalt  }
0x81: {  	_ =	shalt  }
0x82: {  	_ =	shalt  }
0x83: {  	_ =	shalt  }
0x84: {  	_ =	shalt  }
0x85: {  	_ =	shalt  }
0x86: {  	_ =	shalt  }
0x87: {  	_ =	shalt  }
.Lfunc_end0:
.L_simem_size_0:
called_computation_lowered:
.L_overlay_start_0:
0x88: {  	s2 =	sld [smem:$0x3FD9]  }
0x89: {  	s3 =	sld [smem:$0x3FFE];
	_ =	sdelay $0x1  }
0x8a: {  	s1 =	srdreg.scid  }
0x8b: {  	s0 =	sand.u32 $0x1, s1  }
0x8c: {  	s17 =	sshll.u32 s0, $0xA;
	s2 =	sadd.s32 s3, s2  }
0x8d: {  	s2 =	sadd.s32 s2, s17  }
0x8e: {  	[smem:$0x3FBD] =	sst s2  }
0x8f: {  	_ = 	snop  }
0x90: {  	s2 =	sld [smem:$0x3FC2]  }
0x91: {  	s18 =	sld [smem:$0x3FC1];
	(tm) =	ssettm $0x1  }
0x92: {  	s4 =	sld [smem:$0x3FFB];
	_ =	sdelay $0x3  }
0x93: {  	_ =	strace s4  }
0x94: {  	s4 =	sld [smem:$0x3FFC];
	_ =	sdelay $0x3  }
0x95: {  	_ =	strace s4  }
0x96: {  	s4 =	sld [smem:$0x3FFD];
	_ =	sdelay $0x3  }
0x97: {  	_ =	strace s4  }
0x98: {  	_ =	strace $0x8FFFFFFF  }
0x99: {  	s19 =	sld [smem:$0x3FDB];
	_ =	sdelay $0x1  }
0x9a: {  	s5 =	simm.s32 $_scs_section_size  }
0x9b: {  	s6 =	simm.s32 $_size__tile_overlayer_lowered;
	s7 =	simm.s32 $_tile_overlayer_lowered  }
0x9c: {  	s22 =	simm.s32 $0x1BFF;
	s21 =	sshll.u32 s7, $0x1;
	s4 =	sadd.s32 s5, s19  }
0x9d: {  	s8 =	simm.s32 $0x0;
	s20 =	sshll.u32 s6, $0x1;
	s6 =	sadd.s32 s21, s4  }
0x9e: {  	[timem:s8], [sflag:s22] =	dma.local [hbm:s6], s20  }
0x9f: {  	_ =	swait.ge [sflag:s22], s20  }
0xa0: {  	s5 =	ssub.s32 $0x0, s20;
	[sflag:s22] =	ssyncset.done $0x0  }
0xa1: {  	[sflag:s22] =	ssyncadd.s32 s5;
	_ =	sdelay $0x1  }
0xa2: {  	s23 =	simm.s32 $0x1B8B  }
0xa3: {  	_ =	swait.ge [sflag:s23], $0x1  }
0xa4: {  	[sflag:s23] =	ssyncset.done $0x0  }
0xa5: {  	s25 =	simm.s32 $0x1B8E;
	s24 =	sld [smem:$0x3FFE];
	[sflag:s23] =	ssyncadd.s32 $0xFFFFFFFF  }
0xa6: {  	s26 =	simm.s32 $execute0_lowered;
	[smem:$0x3FD2] =	sst s25  }
0xa7: {  	s6 =	sshll.u32 s26, $0x1;
	_ =	strace $0x80000046;
	[dreg:$0x1] =	wrdreg $0xFFFFFFFF  }
0xa8: {  	s28 =	simm.s32 $_size_execute0_lowered;
	s4 =	sadd.s32 s4, s6;
	[dreg:$0x0] =	wrdreg $0x0  }
0xa9: {  	s6 =	sshll.u32 s28, $0x1;
	[dreg:$0x2] =	wrdreg s4  }
0xaa: {  	[dreg:$0x3] =	wrdreg s6  }
0xab: {  	[dreg:$0x4] =	wrdreg $0xC0  }
0xac: {  	_ =	task [dreg:s8], $0x5FFFF  }
0xad: {  	[dreg:$0x1] =	wrdreg $0xFFFFFFFF  }
0xae: {  	[dreg:$0x0] =	wrdreg $0x60  }
0xaf: {  	[dreg:$0x2] =	wrdreg s24  }
0xb0: {  	[dreg:$0x3] =	wrdreg s18  }
0xb1: {  	[dreg:$0x4] =	wrdreg s2  }
0xb2: {  	[dreg:$0x5] =	wrdreg $0x9  }
0xb3: {  	_ =	task.clear_ibuf [dreg:s8], $0x6FFFF;
	_ =	strace $0x90000046  }
0xb4: {  	s29 =	simm.s32 $0x9;
	_ =	strace $0x80000048  }
0xb5: {  	_ =	swait.ge [sflag:s29], $0x1  }
0xb6: {  	[sflag:s29] =	ssyncadd.s32 $0xFFFFFFFF  }
0xb7: {  	_ =	strace $0x90000048  }
0xb8: {  	_ =	sfence  }
0xb9: {  	s30 =	sld [smem:$0x0];
	_ =	sdelay $0x2  }
0xba: {  	s31 =	sshll.u32 s1, $0xD;
	s1 =	sshrl.u32 s1, $0x2  }
0xbb: {  	s3 =	sand.u32 $0x4000, s31;
	s1 =	sadd.s32 s1, s30  }
0xbc: {  	s0 =	sor.u32 s3, s0;
	s1 =	sshll.u32 s1, $0x11  }
0xbd: {  	s0 =	sor.u32 s1, s0  }
0xbe: {  	s0 =	sadd.s32 $0x8F2B, s0  }
0xbf: {  	[sflag:s0] =	ssyncadd.remote.s32 $0x1  }
0xc0: {  	_ =	sfence.sel $0xFFFF  }
0xc1: {  	[dreg:$0x0] =	wrdreg $0xFFFFFFFF;
	(pc) =	sbr.abs _section_cstart, $3  }
0xc2: {  	[dreg:$0x1] =	wrdreg $0xFFFFFFFF  }
0xc3: {  	_ =	task.clear_ibuf [dreg:s8], $0x2FFFF;
	_ =	strace $0x9FFFFFFF  }
0xc4: {  	(tm) =	ssettm $0x7FFFFFFF  }
0xc5: {  	_ =	shalt  }
tec
execute0_lowered:
.L_overlay_start_1:
0x0: {  	(tag) =	ssettag $0x1  }
0x1: {  	s5 =	rddreg [dreg:$0x0]  }
0x2: {  	s0 =	srdreg.scid;
	s6 =	rddreg [dreg:$0x1]  }
0x3: {  	s3 =	stileid.u32;
	s7 =	rddreg [dreg:$0x2]  }
0x4: {  	s26 =	simm.s32 $0x100;
	s28 =	simm.s32 $0x2A00;
	s29 =	simm.s32 $0x3200  }
0x5: {  	s30 =	simm.s32 $0x3A00;
	s31 =	simm.s32 $0x4200;
	s11 =	simm.s32 $0x6A00  }
0x6: {  	s12 =	simm.s32 $0x7200;
	s13 =	simm.s32 $0x7A00;
	s16 =	simm.s32 $0x9A00  }
0x7: {  	s17 =	simm.s32 $0xA200;
	s0 =	sand.u32 $0x1, s0;
	s1 =	sshll.u32 s3, $0x9  }
0x8: {  	s9 =	sadd.s32 $0xC1800, s5;
	s10 =	sadd.s32 $0x101800, s5;
	s2 =	sshll.u32 s0, $0x8  }
0x9: {  	p1 =	seq.s32 s0, $0x1;
	s8 =	sshll.u32 s0, $0xB;
	s1 =	sor.u32 s2, s1  }
0xa: {  	s0 =	ssub.s32 $0x2, s0;
	s2 =	simm.s32 $0x1;
	p0 =	seq.s32 s1, $0x0  }
0xb: {  	s23 =	sshrl.u32 s0, $0x1;
	s1 =	sshll.u32 s1, $0x5;
	p0 =	por !p0, !p1  }
0xc: {  	s0 =	ssub.s32 s0, s23;
	s21 =	sadd.s32 s9, s1;
	p0 =	por !p0, !p0  }
0xd: {  	s22 =	sor.u32 $0x1000, s1;
	s1 =	sadd.s32 s10, s1;
	s2 =	simm.s32 @!p0 $0x0  }
0xe: {  	s14 =	smax.u32 s0, $0x1;
	s3 =	ssub.s32 s3, s2;
	s2 =	simm.s32 $0x0  }
0xf: {  	s24 =	sadd.s32 s9, s22;
	s25 =	sadd.s32 s10, s22;
	[smem:$0x7FF] =	sst s2  }
0x10: {  	s10 =	simm.s32 $0x5200;
	_ =	strace $0x80000047;
	[dreg:$0x6] =	wrdreg s21  }
0x11: {  	s9 =	simm.s32 $0x1;
	s15 =	sshll.u32 s3, $0x9;
	[dreg:$0x7] =	wrdreg s24  }
0x12: {  	s3 =	sshll.u32 s3, $0x7;
	s4 =	sand.u32 $0xFFFFF000, s15;
	[dreg:$0x8] =	wrdreg s1  }
0x13: {  	s18 =	sand.u32 $0x380, s3;
	s3 =	sadd.s32 $0x41800, s5;
	[dreg:$0x9] =	wrdreg s25  }
0x14: {  	[dreg:$0xa] =	wrdreg s26;
	s26 =	simm.s32 $0x200;
	s4 =	sor.u32 s8, s4  }
0x15: {  	v0 =	vmov s15;
	s25 =	simm.s32 $0x2200;
	s15 =	simm.s32 $0x9200;
	s8 =	sor.u32 s18, s4  }
0x16: {  	s4 =	sadd.s32 $0x1800, s5;
	s5 =	simm.s32 $0x8200;
	s8 =	sshrl.u32 s8, $0x3  }
0x17: {  	v3 =	vlaneseq.u32;
	s18 =	simm.s32 $0xB200;
	s19 =	sadd.s32 s6, s8;
	s20 =	sadd.s32 s7, s8  }
0x18: {  	vm0 =	vmmov $0xffff;
	v2 =	vshrl.u32 v3, $0x3;
	s8 =	simm.s32 $0x6200;
	s6 =	simm.s32 $0x3;
	[dreg:$0x4] =	wrdreg s19  }
0x19: {  	v1 =	vand.u32 $0x7, v3;
	v3 =	vor.u32 $0x8, v3;
	v2 =	vmul.u32 $0x8, v2;
	[dreg:$0x5] =	wrdreg s20;
	s19 =	simm.s32 $0xBA00;
	s20 =	simm.s32 $0xC200  }
.LBB2_1:
0x1a: {  	s21 =	rddreg [dreg:$0x4]  }
0x1b: {  	s23 =	simm.s32 $0x80;
	s24 =	simm.s32 $0x400;
	s0 =	simm.s32 $0x5  }
0x1c: {  	[tilespmem:s2], [sflag:$0x5] =	stream.strided.gather [hbm4b:s21+s23], $0x100, s24, s23, $0x38;
	[tilespmem:$0x10200] =	vst v63  }
0x1d: {  	_ =	swait.ge [sflag:s0], $0x100  }
0x1e: {  	s7 =	rddreg [dreg:$0x5];
	[sflag:s0] =	ssyncset.done $0x0  }
0x1f: {  	s22 =	rddreg [dreg:$0xa];
	[sflag:s0] =	ssyncadd.s32 $0xFFFFFF00  }
0x20: {  	[tilespmem:s22], [sflag:$0x5] =	stream.strided.gather [hbm4b:s7+s23], $0x100, s24, s23, $0x38;
	[tilespmem:$0x10200] =	vst v63  }
0x21: {  	_ =	swait.ge [sflag:s0], $0x100  }
0x22: {  	[sflag:s0] =	ssyncset.done $0x0  }
0x23: {  	[sflag:s0] =	ssyncadd.s32 $0xFFFFFF00  }
0x24: {  	v4 =	vld [tilespmem:$0x0]  }
0x25: {  	v5 =	vld [tilespmem:$0x100]  }
0x26: {  	v6 =	vld [tilespmem:$0x10]  }
0x27: {  	v7 =	vld [tilespmem:$0x110]  }
0x28: {  	v8 =	vld [tilespmem:$0x20]  }
0x29: {  	v9 =	vld [tilespmem:$0x120]  }
0x2a: {  	v10 =	vld [tilespmem:$0x30];
	v4 =	vadd.s32 v0, v4  }
0x2b: {  	v41 =	vld [tilespmem:$0x40];
	[tilespmem:$0x0] =	vst v4;
	v4 =	vadd.s32 v0, v5  }
0x2c: {  	v5 =	vld [tilespmem:$0x130];
	[tilespmem:$0x100] =	vst v4;
	v4 =	vadd.s32 v0, v6  }
0x2d: {  	v42 =	vld [tilespmem:$0x140];
	[tilespmem:$0x10] =	vst v4;
	v4 =	vadd.s32 v0, v7  }
0x2e: {  	v43 =	vld [tilespmem:$0x50];
	[tilespmem:$0x110] =	vst v4;
	v4 =	vadd.s32 v0, v8  }
0x2f: {  	v44 =	vld [tilespmem:$0x150];
	[tilespmem:$0x20] =	vst v4;
	v4 =	vadd.s32 v0, v9  }
0x30: {  	v45 =	vld [tilespmem:$0x60];
	[tilespmem:$0x120] =	vst v4;
	v4 =	vadd.s32 v0, v10  }
0x31: {  	v46 =	vld [tilespmem:$0x70];
	[tilespmem:$0x30] =	vst v4;
	v4 =	vadd.s32 v0, v5  }
0x32: {  	v5 =	vld [tilespmem:$0x160];
	[tilespmem:$0x130] =	vst v4;
	v4 =	vadd.s32 v0, v41  }
0x33: {  	v47 =	vld [tilespmem:$0x170];
	[tilespmem:$0x40] =	vst v4;
	v4 =	vadd.s32 v0, v42  }
0x34: {  	v48 =	vld [tilespmem:$0x80];
	[tilespmem:$0x140] =	vst v4;
	v4 =	vadd.s32 v0, v43  }
0x35: {  	v49 =	vld [tilespmem:$0x180];
	[tilespmem:$0x50] =	vst v4;
	v4 =	vadd.s32 v0, v44  }
0x36: {  	v50 =	vld [tilespmem:$0x90];
	[tilespmem:$0x150] =	vst v4;
	v4 =	vadd.s32 v0, v45  }
0x37: {  	v51 =	vld [tilespmem:$0xA0];
	[tilespmem:$0x60] =	vst v4;
	v4 =	vadd.s32 v0, v5  }
0x38: {  	v5 =	vld [tilespmem:$0x190];
	[tilespmem:$0x160] =	vst v4;
	v4 =	vadd.s32 v0, v46  }
0x39: {  	v52 =	vld [tilespmem:$0x1A0];
	[tilespmem:$0x70] =	vst v4;
	v4 =	vadd.s32 v0, v47  }
0x3a: {  	v53 =	vld [tilespmem:$0xB0];
	[tilespmem:$0x170] =	vst v4;
	v4 =	vadd.s32 v0, v48  }
0x3b: {  	v54 =	vld [tilespmem:$0x1B0];
	[tilespmem:$0x80] =	vst v4;
	v4 =	vadd.s32 v0, v49  }
0x3c: {  	v55 =	vld [tilespmem:$0x0];
	[tilespmem:$0x180] =	vst v4;
	v4 =	vadd.s32 v0, v50  }
0x3d: {  	[tilespmem:$0x90] =	vst v4;
	v4 =	vadd.s32 v0, v5;
	v5 =	vld [tilespmem:$0xC0]  }
0x3e: {  	v56 =	vld [tilespmem:$0x1C0];
	[tilespmem:$0x190] =	vst v4;
	v4 =	vadd.s32 v0, v51  }
0x3f: {  	v57 =	vld [tilespmem:$0xD0];
	[tilespmem:$0xA0] =	vst v4;
	v4 =	vadd.s32 v0, v52  }
0x40: {  	v58 =	vld [tilespmem:$0x1D0];
	[tilespmem:$0x1A0] =	vst v4;
	v4 =	vadd.s32 v0, v53  }
0x41: {  	v59 =	vld [tilespmem:$0xE0];
	v11 =	vshll.u32 v55, $0x1;
	[tilespmem:$0xB0] =	vst v4;
	v4 =	vadd.s32 v0, v54  }
0x42: {  	v10 =	vand.u32 $0x7, v55;
	v11 =	vand.u32 $0xFFFFFFF0, v11;
	[tilespmem:$0x1B0] =	vst v4;
	v4 =	vadd.s32 v0, v5;
	v5 =	vld [tilespmem:$0x1E0]  }
0x43: {  	v60 =	vld [tilespmem:$0xF0];
	v10 =	vor.u32 v10, v11;
	[tilespmem:$0xC0] =	vst v4;
	v4 =	vadd.s32 v0, v56  }
0x44: {  	v61 =	vld [tilespmem:$0x1F0];
	v11 =	vperm.xlane v10, v1;
	[tilespmem:$0x1C0] =	vst v4;
	v4 =	vadd.s32 v0, v57  }
0x45: {  	[tilespmem:$0xD0] =	vst v4;
	v4 =	vadd.s32 v0, v58  }
0x46: {  	v63 =	vperm.xlane v10, v3;
	v62 =	vadd.s32 v2, v11;
	[tilespmem:$0x1D0] =	vst v4;
	v4 =	vadd.s32 v0, v59  }
0x47: {  	[tilespmem:$0xE0] =	vst v4;
	v4 =	vadd.s32 v0, v5  }
0x48: {  	v5 =	vadd.s32 v2, v63;
	[tilespmem:$0x1E0] =	vst v4;
	v4 =	vadd.s32 v0, v60  }
0x49: {  	[tilespmem:$0xF0] =	vst v4;
	v4 =	vadd.s32 v0, v61  }
0x4a: {  	[tilespmem:$0x1F0] =	vst v4  }
0x4b: {  	[tilespmem:s26], [sflag:$0x1] =	stream.indirect_vreg.gather [hbm4b:s3+s2], $0x80, v62, vm0, $0xb8;
	[tilespmem:$0x10200] =	vst v63  }
0x4c: {  	s22 =	simm.s32 $0xA00  }
0x4d: {  	[tilespmem:s22], [sflag:$0x1] =	stream.indirect_vreg.gather [hbm4b:s3+s2], $0x80, v5, vm0, $0xb8;
	[tilespmem:$0x10200] =	vst v63  }
0x4e: {  	v4 =	vld [tilespmem:$0x10];
	_ =	sdelay $0x4  }
0x4f: {  	v5 =	vshll.u32 v4, $0x1  }
0x50: {  	v4 =	vand.u32 $0x7, v4;
	v5 =	vand.u32 $0xFFFFFFF0, v5  }
0x51: {  	v4 =	vor.u32 v4, v5  }
0x52: {  	v5 =	vperm.xlane v4, v1;
	_ =	sdelay $0x1  }
0x53: {  	v4 =	vperm.xlane v4, v3;
	v5 =	vadd.s32 v2, v5;
	_ =	sdelay $0x1  }
0x54: {  	v4 =	vadd.s32 v2, v4;
	_ =	sdelay $0x1  }
0x55: {  	s23 =	simm.s32 $0x1200  }
0x56: {  	[tilespmem:s23], [sflag:$0x1] =	stream.indirect_vreg.gather [hbm4b:s3+s2], $0x80, v5, vm0, $0xb8;
	[tilespmem:$0x10200] =	vst v63  }
0x57: {  	s24 =	simm.s32 $0x1A00  }
0x58: {  	[tilespmem:s24], [sflag:$0x1] =	stream.indirect_vreg.gather [hbm4b:s3+s2], $0x80, v4, vm0, $0xb8;
	[tilespmem:$0x10200] =	vst v63  }
0x59: {  	v4 =	vld [tilespmem:$0x20];
	_ =	sdelay $0x4  }
0x5a: {  	v5 =	vshll.u32 v4, $0x1  }
0x5b: {  	v4 =	vand.u32 $0x7, v4;
	v5 =	vand.u32 $0xFFFFFFF0, v5  }
0x5c: {  	v4 =	vor.u32 v4, v5  }
0x5d: {  	v5 =	vperm.xlane v4, v1;
	_ =	sdelay $0x1  }
0x5e: {  	v4 =	vperm.xlane v4, v3;
	v5 =	vadd.s32 v2, v5;
	_ =	sdelay $0x1  }
0x5f: {  	v4 =	vadd.s32 v2, v4;
	_ =	sdelay $0x2  }
0x60: {  	[tilespmem:s25], [sflag:$0x1] =	stream.indirect_vreg.gather [hbm4b:s3+s2], $0x80, v5, vm0, $0xb8;
	[tilespmem:$0x10200] =	vst v63  }
0x61: {  	_ = 	snop  }
0x62: {  	[tilespmem:s28], [sflag:$0x1] =	stream.indirect_vreg.gather [hbm4b:s3+s2], $0x80, v4, vm0, $0xb8;
	[tilespmem:$0x10200] =	vst v63  }
0x63: {  	v4 =	vld [tilespmem:$0x30];
	_ =	sdelay $0x4  }
0x64: {  	v5 =	vshll.u32 v4, $0x1  }
0x65: {  	v4 =	vand.u32 $0x7, v4;
	v5 =	vand.u32 $0xFFFFFFF0, v5  }
0x66: {  	v4 =	vor.u32 v4, v5  }
0x67: {  	v5 =	vperm.xlane v4, v1;
	_ =	sdelay $0x1  }
0x68: {  	v4 =	vperm.xlane v4, v3;
	v5 =	vadd.s32 v2, v5;
	_ =	sdelay $0x1  }
0x69: {  	v4 =	vadd.s32 v2, v4;
	_ =	sdelay $0x2  }
0x6a: {  	[tilespmem:s29], [sflag:$0x1] =	stream.indirect_vreg.gather [hbm4b:s3+s2], $0x80, v5, vm0, $0xb8;
	[tilespmem:$0x10200] =	vst v63  }
0x6b: {  	_ = 	snop  }
0x6c: {  	[tilespmem:s30], [sflag:$0x1] =	stream.indirect_vreg.gather [hbm4b:s3+s2], $0x80, v4, vm0, $0xb8;
	[tilespmem:$0x10200] =	vst v63  }
0x6d: {  	v4 =	vld [tilespmem:$0x40];
	_ =	sdelay $0x4  }
0x6e: {  	v5 =	vshll.u32 v4, $0x1  }
0x6f: {  	v4 =	vand.u32 $0x7, v4;
	v5 =	vand.u32 $0xFFFFFFF0, v5  }
0x70: {  	v4 =	vor.u32 v4, v5  }
0x71: {  	v5 =	vperm.xlane v4, v1;
	_ =	sdelay $0x1  }
0x72: {  	v4 =	vperm.xlane v4, v3;
	v5 =	vadd.s32 v2, v5;
	_ =	sdelay $0x1  }
0x73: {  	v4 =	vadd.s32 v2, v4;
	_ =	sdelay $0x2  }
0x74: {  	[tilespmem:s31], [sflag:$0x1] =	stream.indirect_vreg.gather [hbm4b:s3+s2], $0x80, v5, vm0, $0xb8;
	[tilespmem:$0x10200] =	vst v63  }
0x75: {  	s1 =	simm.s32 $0x4A00  }
0x76: {  	[tilespmem:s1], [sflag:$0x1] =	stream.indirect_vreg.gather [hbm4b:s3+s2], $0x80, v4, vm0, $0xb8;
	[tilespmem:$0x10200] =	vst v63  }
0x77: {  	v4 =	vld [tilespmem:$0x50];
	_ =	sdelay $0x4  }
0x78: {  	v5 =	vshll.u32 v4, $0x1  }
0x79: {  	v4 =	vand.u32 $0x7, v4;
	v5 =	vand.u32 $0xFFFFFFF0, v5  }
0x7a: {  	v4 =	vor.u32 v4, v5  }
0x7b: {  	v5 =	vperm.xlane v4, v1;
	_ =	sdelay $0x1  }
0x7c: {  	v4 =	vperm.xlane v4, v3;
	v5 =	vadd.s32 v2, v5;
	_ =	sdelay $0x1  }
0x7d: {  	v4 =	vadd.s32 v2, v4;
	_ =	sdelay $0x2  }
0x7e: {  	[tilespmem:s10], [sflag:$0x1] =	stream.indirect_vreg.gather [hbm4b:s3+s2], $0x80, v5, vm0, $0xb8;
	[tilespmem:$0x10200] =	vst v63  }
0x7f: {  	s7 =	simm.s32 $0x5A00  }
0x80: {  	[tilespmem:s7], [sflag:$0x1] =	stream.indirect_vreg.gather [hbm4b:s3+s2], $0x80, v4, vm0, $0xb8;
	[tilespmem:$0x10200] =	vst v63  }
0x81: {  	v4 =	vld [tilespmem:$0x60];
	_ =	sdelay $0x4  }
0x82: {  	v5 =	vshll.u32 v4, $0x1  }
0x83: {  	v4 =	vand.u32 $0x7, v4;
	v5 =	vand.u32 $0xFFFFFFF0, v5  }
0x84: {  	v4 =	vor.u32 v4, v5  }
0x85: {  	v5 =	vperm.xlane v4, v1;
	_ =	sdelay $0x1  }
0x86: {  	v4 =	vperm.xlane v4, v3;
	v5 =	vadd.s32 v2, v5;
	_ =	sdelay $0x1  }
0x87: {  	v4 =	vadd.s32 v2, v4;
	_ =	sdelay $0x2  }
0x88: {  	[tilespmem:s8], [sflag:$0x1] =	stream.indirect_vreg.gather [hbm4b:s3+s2], $0x80, v5, vm0, $0xb8;
	[tilespmem:$0x10200] =	vst v63  }
0x89: {  	_ = 	snop  }
0x8a: {  	[tilespmem:s11], [sflag:$0x1] =	stream.indirect_vreg.gather [hbm4b:s3+s2], $0x80, v4, vm0, $0xb8;
	[tilespmem:$0x10200] =	vst v63  }
0x8b: {  	v4 =	vld [tilespmem:$0x70];
	_ =	sdelay $0x4  }
0x8c: {  	v5 =	vshll.u32 v4, $0x1  }
0x8d: {  	v4 =	vand.u32 $0x7, v4;
	v5 =	vand.u32 $0xFFFFFFF0, v5  }
0x8e: {  	v4 =	vor.u32 v4, v5  }
0x8f: {  	v5 =	vperm.xlane v4, v1;
	_ =	sdelay $0x1  }
0x90: {  	v4 =	vperm.xlane v4, v3;
	v5 =	vadd.s32 v2, v5;
	_ =	sdelay $0x1  }
0x91: {  	v4 =	vadd.s32 v2, v4;
	_ =	sdelay $0x2  }
0x92: {  	[tilespmem:s12], [sflag:$0x1] =	stream.indirect_vreg.gather [hbm4b:s3+s2], $0x80, v5, vm0, $0xb8;
	[tilespmem:$0x10200] =	vst v63  }
0x93: {  	_ = 	snop  }
0x94: {  	[tilespmem:s13], [sflag:$0x1] =	stream.indirect_vreg.gather [hbm4b:s3+s2], $0x80, v4, vm0, $0xb8;
	[tilespmem:$0x10200] =	vst v63  }
0x95: {  	_ =	swait.ge [sflag:s9], $0x8000  }
0x96: {  	[sflag:s9] =	ssyncset.done $0x0  }
0x97: {  	s0 =	rddreg [dreg:$0x6];
	[sflag:s9] =	ssyncadd.s32 $0xFFFF8000  }
0x98: {  	[hbm4b:s0+s2] =	stream.linear.scatter [tilespmem:s26], [sflag:$0x3], $0x8000, $0x38;
	[tilespmem:$0x10200] =	vst v63  }
0x99: {  	v4 =	vld [tilespmem:$0x80];
	_ =	sdelay $0x4  }
0x9a: {  	v5 =	vshll.u32 v4, $0x1  }
0x9b: {  	v4 =	vand.u32 $0x7, v4;
	v5 =	vand.u32 $0xFFFFFFF0, v5  }
0x9c: {  	v4 =	vor.u32 v4, v5  }
0x9d: {  	v5 =	vperm.xlane v4, v1;
	_ =	sdelay $0x1  }
0x9e: {  	v4 =	vperm.xlane v4, v3;
	v5 =	vadd.s32 v2, v5;
	_ =	sdelay $0x1  }
0x9f: {  	v4 =	vadd.s32 v2, v4;
	_ =	sdelay $0x2  }
0xa0: {  	[tilespmem:s5], [sflag:$0x2] =	stream.indirect_vreg.gather [hbm4b:s3+s2], $0x80, v5, vm0, $0xb8;
	[tilespmem:$0x10200] =	vst v63  }
0xa1: {  	s21 =	simm.s32 $0x8A00  }
0xa2: {  	[tilespmem:s21], [sflag:$0x2] =	stream.indirect_vreg.gather [hbm4b:s3+s2], $0x80, v4, vm0, $0xb8;
	[tilespmem:$0x10200] =	vst v63  }
0xa3: {  	v4 =	vld [tilespmem:$0x90];
	_ =	sdelay $0x4  }
0xa4: {  	v5 =	vshll.u32 v4, $0x1  }
0xa5: {  	v4 =	vand.u32 $0x7, v4;
	v5 =	vand.u32 $0xFFFFFFF0, v5  }
0xa6: {  	v4 =	vor.u32 v4, v5  }
0xa7: {  	v5 =	vperm.xlane v4, v1;
	_ =	sdelay $0x1  }
0xa8: {  	v4 =	vperm.xlane v4, v3;
	v5 =	vadd.s32 v2, v5;
	_ =	sdelay $0x1  }
0xa9: {  	v4 =	vadd.s32 v2, v4;
	_ =	sdelay $0x2  }
0xaa: {  	[tilespmem:s15], [sflag:$0x2] =	stream.indirect_vreg.gather [hbm4b:s3+s2], $0x80, v5, vm0, $0xb8;
	[tilespmem:$0x10200] =	vst v63  }
0xab: {  	_ = 	snop  }
0xac: {  	[tilespmem:s16], [sflag:$0x2] =	stream.indirect_vreg.gather [hbm4b:s3+s2], $0x80, v4, vm0, $0xb8;
	[tilespmem:$0x10200] =	vst v63  }
0xad: {  	v4 =	vld [tilespmem:$0xA0];
	_ =	sdelay $0x4  }
0xae: {  	v5 =	vshll.u32 v4, $0x1  }
0xaf: {  	v4 =	vand.u32 $0x7, v4;
	v5 =	vand.u32 $0xFFFFFFF0, v5  }
0xb0: {  	v4 =	vor.u32 v4, v5  }
0xb1: {  	v5 =	vperm.xlane v4, v1;
	_ =	sdelay $0x1  }
0xb2: {  	v4 =	vperm.xlane v4, v3;
	v5 =	vadd.s32 v2, v5;
	_ =	sdelay $0x1  }
0xb3: {  	v4 =	vadd.s32 v2, v4;
	_ =	sdelay $0x2  }
0xb4: {  	[tilespmem:s17], [sflag:$0x2] =	stream.indirect_vreg.gather [hbm4b:s3+s2], $0x80, v5, vm0, $0xb8;
	[tilespmem:$0x10200] =	vst v63  }
0xb5: {  	s21 =	simm.s32 $0xAA00  }
0xb6: {  	[tilespmem:s21], [sflag:$0x2] =	stream.indirect_vreg.gather [hbm4b:s3+s2], $0x80, v4, vm0, $0xb8;
	[tilespmem:$0x10200] =	vst v63  }
0xb7: {  	v4 =	vld [tilespmem:$0xB0];
	_ =	sdelay $0x4  }
0xb8: {  	v5 =	vshll.u32 v4, $0x1  }
0xb9: {  	v4 =	vand.u32 $0x7, v4;
	v5 =	vand.u32 $0xFFFFFFF0, v5  }
0xba: {  	v4 =	vor.u32 v4, v5  }
0xbb: {  	v5 =	vperm.xlane v4, v1;
	_ =	sdelay $0x1  }
0xbc: {  	v4 =	vperm.xlane v4, v3;
	v5 =	vadd.s32 v2, v5;
	_ =	sdelay $0x1  }
0xbd: {  	v4 =	vadd.s32 v2, v4;
	_ =	sdelay $0x2  }
0xbe: {  	[tilespmem:s18], [sflag:$0x2] =	stream.indirect_vreg.gather [hbm4b:s3+s2], $0x80, v5, vm0, $0xb8;
	[tilespmem:$0x10200] =	vst v63  }
0xbf: {  	_ = 	snop  }
0xc0: {  	[tilespmem:s19], [sflag:$0x2] =	stream.indirect_vreg.gather [hbm4b:s3+s2], $0x80, v4, vm0, $0xb8;
	[tilespmem:$0x10200] =	vst v63  }
0xc1: {  	v4 =	vld [tilespmem:$0xC0];
	_ =	sdelay $0x4  }
0xc2: {  	v5 =	vshll.u32 v4, $0x1  }
0xc3: {  	v4 =	vand.u32 $0x7, v4;
	v5 =	vand.u32 $0xFFFFFFF0, v5  }
0xc4: {  	v4 =	vor.u32 v4, v5  }
0xc5: {  	v5 =	vperm.xlane v4, v1;
	_ =	sdelay $0x1  }
0xc6: {  	v4 =	vperm.xlane v4, v3;
	v5 =	vadd.s32 v2, v5;
	_ =	sdelay $0x1  }
0xc7: {  	v4 =	vadd.s32 v2, v4;
	_ =	sdelay $0x2  }
0xc8: {  	[tilespmem:s20], [sflag:$0x2] =	stream.indirect_vreg.gather [hbm4b:s3+s2], $0x80, v5, vm0, $0xb8;
	[tilespmem:$0x10200] =	vst v63  }
0xc9: {  	s21 =	simm.s32 $0xCA00  }
0xca: {  	[tilespmem:s21], [sflag:$0x2] =	stream.indirect_vreg.gather [hbm4b:s3+s2], $0x80, v4, vm0, $0xb8;
	[tilespmem:$0x10200] =	vst v63  }
0xcb: {  	v4 =	vld [tilespmem:$0xD0];
	_ =	sdelay $0x4  }
0xcc: {  	v5 =	vshll.u32 v4, $0x1  }
0xcd: {  	v4 =	vand.u32 $0x7, v4;
	v5 =	vand.u32 $0xFFFFFFF0, v5  }
0xce: {  	v4 =	vor.u32 v4, v5  }
0xcf: {  	v5 =	vperm.xlane v4, v1;
	_ =	sdelay $0x1  }
0xd0: {  	v4 =	vperm.xlane v4, v3;
	v5 =	vadd.s32 v2, v5;
	_ =	sdelay $0x1  }
0xd1: {  	v4 =	vadd.s32 v2, v4;
	_ =	sdelay $0x1  }
0xd2: {  	s21 =	simm.s32 $0xD200  }
0xd3: {  	[tilespmem:s21], [sflag:$0x2] =	stream.indirect_vreg.gather [hbm4b:s3+s2], $0x80, v5, vm0, $0xb8;
	[tilespmem:$0x10200] =	vst v63  }
0xd4: {  	s21 =	simm.s32 $0xDA00  }
0xd5: {  	[tilespmem:s21], [sflag:$0x2] =	stream.indirect_vreg.gather [hbm4b:s3+s2], $0x80, v4, vm0, $0xb8;
	[tilespmem:$0x10200] =	vst v63  }
0xd6: {  	v4 =	vld [tilespmem:$0xE0];
	_ =	sdelay $0x4  }
0xd7: {  	v5 =	vshll.u32 v4, $0x1  }
0xd8: {  	v4 =	vand.u32 $0x7, v4;
	v5 =	vand.u32 $0xFFFFFFF0, v5  }
0xd9: {  	v4 =	vor.u32 v4, v5  }
0xda: {  	v5 =	vperm.xlane v4, v1;
	_ =	sdelay $0x1  }
0xdb: {  	v4 =	vperm.xlane v4, v3;
	v5 =	vadd.s32 v2, v5;
	_ =	sdelay $0x1  }
0xdc: {  	v4 =	vadd.s32 v2, v4;
	_ =	sdelay $0x1  }
0xdd: {  	s21 =	simm.s32 $0xE200  }
0xde: {  	[tilespmem:s21], [sflag:$0x2] =	stream.indirect_vreg.gather [hbm4b:s3+s2], $0x80, v5, vm0, $0xb8;
	[tilespmem:$0x10200] =	vst v63  }
0xdf: {  	s21 =	simm.s32 $0xEA00  }
0xe0: {  	[tilespmem:s21], [sflag:$0x2] =	stream.indirect_vreg.gather [hbm4b:s3+s2], $0x80, v4, vm0, $0xb8;
	[tilespmem:$0x10200] =	vst v63  }
0xe1: {  	v4 =	vld [tilespmem:$0xF0];
	_ =	sdelay $0x4  }
0xe2: {  	v5 =	vshll.u32 v4, $0x1  }
0xe3: {  	v4 =	vand.u32 $0x7, v4;
	v5 =	vand.u32 $0xFFFFFFF0, v5  }
0xe4: {  	v4 =	vor.u32 v4, v5  }
0xe5: {  	v5 =	vperm.xlane v4, v1;
	_ =	sdelay $0x1  }
0xe6: {  	v4 =	vperm.xlane v4, v3;
	v5 =	vadd.s32 v2, v5;
	_ =	sdelay $0x1  }
0xe7: {  	v4 =	vadd.s32 v2, v4;
	_ =	sdelay $0x1  }
0xe8: {  	s21 =	simm.s32 $0xF200  }
0xe9: {  	[tilespmem:s21], [sflag:$0x2] =	stream.indirect_vreg.gather [hbm4b:s3+s2], $0x80, v5, vm0, $0xb8;
	[tilespmem:$0x10200] =	vst v63  }
0xea: {  	s0 =	simm.s32 $0x2;
	s21 =	simm.s32 $0xFA00  }
0xeb: {  	[tilespmem:s21], [sflag:$0x2] =	stream.indirect_vreg.gather [hbm4b:s3+s2], $0x80, v4, vm0, $0xb8;
	[tilespmem:$0x10200] =	vst v63  }
0xec: {  	_ =	swait.ge [sflag:s0], $0x8000  }
0xed: {  	[sflag:s0] =	ssyncset.done $0x0  }
0xee: {  	s21 =	rddreg [dreg:$0x7];
	[sflag:s0] =	ssyncadd.s32 $0xFFFF8000  }
0xef: {  	[hbm4b:s21+s2] =	stream.linear.scatter [tilespmem:s5], [sflag:$0x4], $0x8000, $0x38;
	[tilespmem:$0x10200] =	vst v63  }
0xf0: {  	_ =	swait.ge [sflag:s6], $0x8000  }
0xf1: {  	[sflag:s6] =	ssyncset.done $0x0  }
0xf2: {  	[sflag:s6] =	ssyncadd.s32 $0xFFFF8000  }
0xf3: {  	v4 =	vld [tilespmem:$0x100];
	_ =	sdelay $0x4  }
0xf4: {  	v5 =	vshll.u32 v4, $0x1  }
0xf5: {  	v4 =	vand.u32 $0x7, v4;
	v5 =	vand.u32 $0xFFFFFFF0, v5  }
0xf6: {  	v4 =	vor.u32 v4, v5  }
0xf7: {  	v5 =	vperm.xlane v4, v1;
	_ =	sdelay $0x1  }
0xf8: {  	v4 =	vperm.xlane v4, v3;
	v5 =	vadd.s32 v2, v5;
	_ =	sdelay $0x1  }
0xf9: {  	v4 =	vadd.s32 v2, v4;
	_ =	sdelay $0x2  }
0xfa: {  	[tilespmem:s26], [sflag:$0x1] =	stream.indirect_vreg.gather [hbm4b:s4+s2], $0x80, v5, vm0, $0xb8;
	[tilespmem:$0x10200] =	vst v63  }
0xfb: {  	_ = 	snop  }
0xfc: {  	[tilespmem:s22], [sflag:$0x1] =	stream.indirect_vreg.gather [hbm4b:s4+s2], $0x80, v4, vm0, $0xb8;
	[tilespmem:$0x10200] =	vst v63  }
0xfd: {  	v4 =	vld [tilespmem:$0x110];
	_ =	sdelay $0x4  }
0xfe: {  	v5 =	vshll.u32 v4, $0x1  }
0xff: {  	v4 =	vand.u32 $0x7, v4;
	v5 =	vand.u32 $0xFFFFFFF0, v5  }
0x100: {  	v4 =	vor.u32 v4, v5  }
0x101: {  	v5 =	vperm.xlane v4, v1;
	_ =	sdelay $0x1  }
0x102: {  	v4 =	vperm.xlane v4, v3;
	v5 =	vadd.s32 v2, v5;
	_ =	sdelay $0x1  }
0x103: {  	v4 =	vadd.s32 v2, v4;
	_ =	sdelay $0x2  }
0x104: {  	[tilespmem:s23], [sflag:$0x1] =	stream.indirect_vreg.gather [hbm4b:s4+s2], $0x80, v5, vm0, $0xb8;
	[tilespmem:$0x10200] =	vst v63  }
0x105: {  	_ = 	snop  }
0x106: {  	[tilespmem:s24], [sflag:$0x1] =	stream.indirect_vreg.gather [hbm4b:s4+s2], $0x80, v4, vm0, $0xb8;
	[tilespmem:$0x10200] =	vst v63  }
0x107: {  	v4 =	vld [tilespmem:$0x120];
	_ =	sdelay $0x4  }
0x108: {  	v5 =	vshll.u32 v4, $0x1  }
0x109: {  	v4 =	vand.u32 $0x7, v4;
	v5 =	vand.u32 $0xFFFFFFF0, v5  }
0x10a: {  	v4 =	vor.u32 v4, v5  }
0x10b: {  	v5 =	vperm.xlane v4, v1;
	_ =	sdelay $0x1  }
0x10c: {  	v4 =	vperm.xlane v4, v3;
	v5 =	vadd.s32 v2, v5;
	_ =	sdelay $0x1  }
0x10d: {  	v4 =	vadd.s32 v2, v4;
	_ =	sdelay $0x2  }
0x10e: {  	[tilespmem:s25], [sflag:$0x1] =	stream.indirect_vreg.gather [hbm4b:s4+s2], $0x80, v5, vm0, $0xb8;
	[tilespmem:$0x10200] =	vst v63  }
0x10f: {  	_ = 	snop  }
0x110: {  	[tilespmem:s28], [sflag:$0x1] =	stream.indirect_vreg.gather [hbm4b:s4+s2], $0x80, v4, vm0, $0xb8;
	[tilespmem:$0x10200] =	vst v63  }
0x111: {  	v4 =	vld [tilespmem:$0x130];
	_ =	sdelay $0x4  }
0x112: {  	v5 =	vshll.u32 v4, $0x1  }
0x113: {  	v4 =	vand.u32 $0x7, v4;
	v5 =	vand.u32 $0xFFFFFFF0, v5  }
0x114: {  	v4 =	vor.u32 v4, v5  }
0x115: {  	v5 =	vperm.xlane v4, v1;
	_ =	sdelay $0x1  }
0x116: {  	v4 =	vperm.xlane v4, v3;
	v5 =	vadd.s32 v2, v5;
	_ =	sdelay $0x1  }
0x117: {  	v4 =	vadd.s32 v2, v4;
	_ =	sdelay $0x2  }
0x118: {  	[tilespmem:s29], [sflag:$0x1] =	stream.indirect_vreg.gather [hbm4b:s4+s2], $0x80, v5, vm0, $0xb8;
	[tilespmem:$0x10200] =	vst v63  }
0x119: {  	_ = 	snop  }
0x11a: {  	[tilespmem:s30], [sflag:$0x1] =	stream.indirect_vreg.gather [hbm4b:s4+s2], $0x80, v4, vm0, $0xb8;
	[tilespmem:$0x10200] =	vst v63  }
0x11b: {  	v4 =	vld [tilespmem:$0x140];
	_ =	sdelay $0x4  }
0x11c: {  	v5 =	vshll.u32 v4, $0x1  }
0x11d: {  	v4 =	vand.u32 $0x7, v4;
	v5 =	vand.u32 $0xFFFFFFF0, v5  }
0x11e: {  	v4 =	vor.u32 v4, v5  }
0x11f: {  	v5 =	vperm.xlane v4, v1;
	_ =	sdelay $0x1  }
0x120: {  	v4 =	vperm.xlane v4, v3;
	v5 =	vadd.s32 v2, v5;
	_ =	sdelay $0x1  }
0x121: {  	v4 =	vadd.s32 v2, v4;
	_ =	sdelay $0x2  }
0x122: {  	[tilespmem:s31], [sflag:$0x1] =	stream.indirect_vreg.gather [hbm4b:s4+s2], $0x80, v5, vm0, $0xb8;
	[tilespmem:$0x10200] =	vst v63  }
0x123: {  	_ = 	snop  }
0x124: {  	[tilespmem:s1], [sflag:$0x1] =	stream.indirect_vreg.gather [hbm4b:s4+s2], $0x80, v4, vm0, $0xb8;
	[tilespmem:$0x10200] =	vst v63  }
0x125: {  	v4 =	vld [tilespmem:$0x150];
	_ =	sdelay $0x4  }
0x126: {  	v5 =	vshll.u32 v4, $0x1  }
0x127: {  	v4 =	vand.u32 $0x7, v4;
	v5 =	vand.u32 $0xFFFFFFF0, v5  }
0x128: {  	v4 =	vor.u32 v4, v5  }
0x129: {  	v5 =	vperm.xlane v4, v1;
	_ =	sdelay $0x1  }
0x12a: {  	v4 =	vperm.xlane v4, v3;
	v5 =	vadd.s32 v2, v5;
	_ =	sdelay $0x1  }
0x12b: {  	v4 =	vadd.s32 v2, v4;
	_ =	sdelay $0x2  }
0x12c: {  	[tilespmem:s10], [sflag:$0x1] =	stream.indirect_vreg.gather [hbm4b:s4+s2], $0x80, v5, vm0, $0xb8;
	[tilespmem:$0x10200] =	vst v63  }
0x12d: {  	_ = 	snop  }
0x12e: {  	[tilespmem:s7], [sflag:$0x1] =	stream.indirect_vreg.gather [hbm4b:s4+s2], $0x80, v4, vm0, $0xb8;
	[tilespmem:$0x10200] =	vst v63  }
0x12f: {  	v4 =	vld [tilespmem:$0x160];
	_ =	sdelay $0x4  }
0x130: {  	v5 =	vshll.u32 v4, $0x1  }
0x131: {  	v4 =	vand.u32 $0x7, v4;
	v5 =	vand.u32 $0xFFFFFFF0, v5  }
0x132: {  	v4 =	vor.u32 v4, v5  }
0x133: {  	v5 =	vperm.xlane v4, v1;
	_ =	sdelay $0x1  }
0x134: {  	v4 =	vperm.xlane v4, v3;
	v5 =	vadd.s32 v2, v5;
	_ =	sdelay $0x1  }
0x135: {  	v4 =	vadd.s32 v2, v4;
	_ =	sdelay $0x2  }
0x136: {  	[tilespmem:s8], [sflag:$0x1] =	stream.indirect_vreg.gather [hbm4b:s4+s2], $0x80, v5, vm0, $0xb8;
	[tilespmem:$0x10200] =	vst v63  }
0x137: {  	_ = 	snop  }
0x138: {  	[tilespmem:s11], [sflag:$0x1] =	stream.indirect_vreg.gather [hbm4b:s4+s2], $0x80, v4, vm0, $0xb8;
	[tilespmem:$0x10200] =	vst v63  }
0x139: {  	v4 =	vld [tilespmem:$0x170];
	_ =	sdelay $0x4  }
0x13a: {  	v5 =	vshll.u32 v4, $0x1  }
0x13b: {  	v4 =	vand.u32 $0x7, v4;
	v5 =	vand.u32 $0xFFFFFFF0, v5  }
0x13c: {  	v4 =	vor.u32 v4, v5  }
0x13d: {  	v5 =	vperm.xlane v4, v1;
	_ =	sdelay $0x1  }
0x13e: {  	v4 =	vperm.xlane v4, v3;
	v5 =	vadd.s32 v2, v5;
	_ =	sdelay $0x1  }
0x13f: {  	v4 =	vadd.s32 v2, v4;
	_ =	sdelay $0x2  }
0x140: {  	[tilespmem:s12], [sflag:$0x1] =	stream.indirect_vreg.gather [hbm4b:s4+s2], $0x80, v5, vm0, $0xb8;
	[tilespmem:$0x10200] =	vst v63  }
0x141: {  	_ = 	snop  }
0x142: {  	[tilespmem:s13], [sflag:$0x1] =	stream.indirect_vreg.gather [hbm4b:s4+s2], $0x80, v4, vm0, $0xb8;
	[tilespmem:$0x10200] =	vst v63  }
0x143: {  	_ =	swait.ge [sflag:s9], $0x8000  }
0x144: {  	[sflag:s9] =	ssyncset.done $0x0  }
0x145: {  	s1 =	simm.s32 $0x4;
	s22 =	rddreg [dreg:$0x8];
	[sflag:s9] =	ssyncadd.s32 $0xFFFF8000  }
0x146: {  	[hbm4b:s22+s2] =	stream.linear.scatter [tilespmem:s26], [sflag:$0x3], $0x8000, $0x38;
	[tilespmem:$0x10200] =	vst v63  }
0x147: {  	_ =	swait.ge [sflag:s1], $0x8000  }
0x148: {  	[sflag:s1] =	ssyncset.done $0x0  }
0x149: {  	[sflag:s1] =	ssyncadd.s32 $0xFFFF8000  }
0x14a: {  	v4 =	vld [tilespmem:$0x180];
	_ =	sdelay $0x4  }
0x14b: {  	v5 =	vshll.u32 v4, $0x1  }
0x14c: {  	v4 =	vand.u32 $0x7, v4;
	v5 =	vand.u32 $0xFFFFFFF0, v5  }
0x14d: {  	v4 =	vor.u32 v4, v5  }
0x14e: {  	v5 =	vperm.xlane v4, v1;
	_ =	sdelay $0x1  }
0x14f: {  	v4 =	vperm.xlane v4, v3;
	v5 =	vadd.s32 v2, v5;
	_ =	sdelay $0x1  }
0x150: {  	v4 =	vadd.s32 v2, v4;
	_ =	sdelay $0x2  }
0x151: {  	[tilespmem:s5], [sflag:$0x2] =	stream.indirect_vreg.gather [hbm4b:s4+s2], $0x80, v5, vm0, $0xb8;
	[tilespmem:$0x10200] =	vst v63  }
0x152: {  	s23 =	simm.s32 $0x8A00  }
0x153: {  	[tilespmem:s23], [sflag:$0x2] =	stream.indirect_vreg.gather [hbm4b:s4+s2], $0x80, v4, vm0, $0xb8;
	[tilespmem:$0x10200] =	vst v63  }
0x154: {  	v4 =	vld [tilespmem:$0x190];
	_ =	sdelay $0x4  }
0x155: {  	v5 =	vshll.u32 v4, $0x1  }
0x156: {  	v4 =	vand.u32 $0x7, v4;
	v5 =	vand.u32 $0xFFFFFFF0, v5  }
0x157: {  	v4 =	vor.u32 v4, v5  }
0x158: {  	v5 =	vperm.xlane v4, v1;
	_ =	sdelay $0x1  }
0x159: {  	v4 =	vperm.xlane v4, v3;
	v5 =	vadd.s32 v2, v5;
	_ =	sdelay $0x1  }
0x15a: {  	v4 =	vadd.s32 v2, v4;
	_ =	sdelay $0x2  }
0x15b: {  	[tilespmem:s15], [sflag:$0x2] =	stream.indirect_vreg.gather [hbm4b:s4+s2], $0x80, v5, vm0, $0xb8;
	[tilespmem:$0x10200] =	vst v63  }
0x15c: {  	_ = 	snop  }
0x15d: {  	[tilespmem:s16], [sflag:$0x2] =	stream.indirect_vreg.gather [hbm4b:s4+s2], $0x80, v4, vm0, $0xb8;
	[tilespmem:$0x10200] =	vst v63  }
0x15e: {  	v4 =	vld [tilespmem:$0x1A0];
	_ =	sdelay $0x4  }
0x15f: {  	v5 =	vshll.u32 v4, $0x1  }
0x160: {  	v4 =	vand.u32 $0x7, v4;
	v5 =	vand.u32 $0xFFFFFFF0, v5  }
0x161: {  	v4 =	vor.u32 v4, v5  }
0x162: {  	v5 =	vperm.xlane v4, v1;
	_ =	sdelay $0x1  }
0x163: {  	v4 =	vperm.xlane v4, v3;
	v5 =	vadd.s32 v2, v5;
	_ =	sdelay $0x1  }
0x164: {  	v4 =	vadd.s32 v2, v4;
	_ =	sdelay $0x2  }
0x165: {  	[tilespmem:s17], [sflag:$0x2] =	stream.indirect_vreg.gather [hbm4b:s4+s2], $0x80, v5, vm0, $0xb8;
	[tilespmem:$0x10200] =	vst v63  }
0x166: {  	s24 =	simm.s32 $0xAA00  }
0x167: {  	[tilespmem:s24], [sflag:$0x2] =	stream.indirect_vreg.gather [hbm4b:s4+s2], $0x80, v4, vm0, $0xb8;
	[tilespmem:$0x10200] =	vst v63  }
0x168: {  	v4 =	vld [tilespmem:$0x1B0];
	_ =	sdelay $0x4  }
0x169: {  	v5 =	vshll.u32 v4, $0x1  }
0x16a: {  	v4 =	vand.u32 $0x7, v4;
	v5 =	vand.u32 $0xFFFFFFF0, v5  }
0x16b: {  	v4 =	vor.u32 v4, v5  }
0x16c: {  	v5 =	vperm.xlane v4, v1;
	_ =	sdelay $0x1  }
0x16d: {  	v4 =	vperm.xlane v4, v3;
	v5 =	vadd.s32 v2, v5;
	_ =	sdelay $0x1  }
0x16e: {  	v4 =	vadd.s32 v2, v4;
	_ =	sdelay $0x2  }
0x16f: {  	[tilespmem:s18], [sflag:$0x2] =	stream.indirect_vreg.gather [hbm4b:s4+s2], $0x80, v5, vm0, $0xb8;
	[tilespmem:$0x10200] =	vst v63  }
0x170: {  	_ = 	snop  }
0x171: {  	[tilespmem:s19], [sflag:$0x2] =	stream.indirect_vreg.gather [hbm4b:s4+s2], $0x80, v4, vm0, $0xb8;
	[tilespmem:$0x10200] =	vst v63  }
0x172: {  	v4 =	vld [tilespmem:$0x1C0];
	_ =	sdelay $0x4  }
0x173: {  	v5 =	vshll.u32 v4, $0x1  }
0x174: {  	v4 =	vand.u32 $0x7, v4;
	v5 =	vand.u32 $0xFFFFFFF0, v5  }
0x175: {  	v4 =	vor.u32 v4, v5  }
0x176: {  	v5 =	vperm.xlane v4, v1;
	_ =	sdelay $0x1  }
0x177: {  	v4 =	vperm.xlane v4, v3;
	v5 =	vadd.s32 v2, v5;
	_ =	sdelay $0x1  }
0x178: {  	v4 =	vadd.s32 v2, v4;
	_ =	sdelay $0x2  }
0x179: {  	[tilespmem:s20], [sflag:$0x2] =	stream.indirect_vreg.gather [hbm4b:s4+s2], $0x80, v5, vm0, $0xb8;
	[tilespmem:$0x10200] =	vst v63  }
0x17a: {  	s21 =	simm.s32 $0xCA00  }
0x17b: {  	[tilespmem:s21], [sflag:$0x2] =	stream.indirect_vreg.gather [hbm4b:s4+s2], $0x80, v4, vm0, $0xb8;
	[tilespmem:$0x10200] =	vst v63  }
0x17c: {  	v4 =	vld [tilespmem:$0x1D0];
	_ =	sdelay $0x4  }
0x17d: {  	v5 =	vshll.u32 v4, $0x1  }
0x17e: {  	v4 =	vand.u32 $0x7, v4;
	v5 =	vand.u32 $0xFFFFFFF0, v5  }
0x17f: {  	v4 =	vor.u32 v4, v5  }
0x180: {  	v5 =	vperm.xlane v4, v1;
	_ =	sdelay $0x1  }
0x181: {  	v4 =	vperm.xlane v4, v3;
	v5 =	vadd.s32 v2, v5;
	_ =	sdelay $0x1  }
0x182: {  	v4 =	vadd.s32 v2, v4;
	_ =	sdelay $0x1  }
0x183: {  	s22 =	simm.s32 $0xD200  }
0x184: {  	[tilespmem:s22], [sflag:$0x2] =	stream.indirect_vreg.gather [hbm4b:s4+s2], $0x80, v5, vm0, $0xb8;
	[tilespmem:$0x10200] =	vst v63  }
0x185: {  	s23 =	simm.s32 $0xDA00  }
0x186: {  	[tilespmem:s23], [sflag:$0x2] =	stream.indirect_vreg.gather [hbm4b:s4+s2], $0x80, v4, vm0, $0xb8;
	[tilespmem:$0x10200] =	vst v63  }
0x187: {  	v4 =	vld [tilespmem:$0x1E0];
	_ =	sdelay $0x4  }
0x188: {  	v5 =	vshll.u32 v4, $0x1  }
0x189: {  	v4 =	vand.u32 $0x7, v4;
	v5 =	vand.u32 $0xFFFFFFF0, v5  }
0x18a: {  	v4 =	vor.u32 v4, v5  }
0x18b: {  	v5 =	vperm.xlane v4, v1;
	_ =	sdelay $0x1  }
0x18c: {  	v4 =	vperm.xlane v4, v3;
	v5 =	vadd.s32 v2, v5;
	_ =	sdelay $0x1  }
0x18d: {  	v4 =	vadd.s32 v2, v4;
	_ =	sdelay $0x1  }
0x18e: {  	s24 =	simm.s32 $0xE200  }
0x18f: {  	[tilespmem:s24], [sflag:$0x2] =	stream.indirect_vreg.gather [hbm4b:s4+s2], $0x80, v5, vm0, $0xb8;
	[tilespmem:$0x10200] =	vst v63  }
0x190: {  	s21 =	simm.s32 $0xEA00  }
0x191: {  	[tilespmem:s21], [sflag:$0x2] =	stream.indirect_vreg.gather [hbm4b:s4+s2], $0x80, v4, vm0, $0xb8;
	[tilespmem:$0x10200] =	vst v63  }
0x192: {  	v4 =	vld [tilespmem:$0x1F0];
	_ =	sdelay $0x4  }
0x193: {  	v5 =	vshll.u32 v4, $0x1  }
0x194: {  	v4 =	vand.u32 $0x7, v4;
	v5 =	vand.u32 $0xFFFFFFF0, v5  }
0x195: {  	v4 =	vor.u32 v4, v5  }
0x196: {  	v5 =	vperm.xlane v4, v1;
	_ =	sdelay $0x1  }
0x197: {  	v4 =	vperm.xlane v4, v3;
	v5 =	vadd.s32 v2, v5;
	_ =	sdelay $0x1  }
0x198: {  	v4 =	vadd.s32 v2, v4;
	_ =	sdelay $0x1  }
0x199: {  	s22 =	simm.s32 $0xF200  }
0x19a: {  	[tilespmem:s22], [sflag:$0x2] =	stream.indirect_vreg.gather [hbm4b:s4+s2], $0x80, v5, vm0, $0xb8;
	[tilespmem:$0x10200] =	vst v63  }
0x19b: {  	s23 =	simm.s32 $0xFA00  }
0x19c: {  	[tilespmem:s23], [sflag:$0x2] =	stream.indirect_vreg.gather [hbm4b:s4+s2], $0x80, v4, vm0, $0xb8;
	[tilespmem:$0x10200] =	vst v63  }
0x19d: {  	_ =	swait.ge [sflag:s0], $0x8000  }
0x19e: {  	[sflag:s0] =	ssyncset.done $0x0  }
0x19f: {  	s24 =	rddreg [dreg:$0x9];
	[sflag:s0] =	ssyncadd.s32 $0xFFFF8000  }
0x1a0: {  	[hbm4b:s24+s2] =	stream.linear.scatter [tilespmem:s5], [sflag:$0x4], $0x8000, $0x38;
	[tilespmem:$0x10200] =	vst v63  }
0x1a1: {  	p0 =	sne.s32 s14, $0x1;
	_ =	swait.ge [sflag:s6], $0x8000  }
.Ltmp0:
0x1a2: {  	[sflag:s6] =	ssyncset.done $0x0;
	(pc) =	sbr.rel @p0 .LBB2_1-.Ltmp0, $4  }
0x1a3: {  	[sflag:s6] =	ssyncadd.s32 $0xFFFF8000  }
0x1a4: {  	_ =	swait.ge [sflag:s1], $0x8000  }
0x1a5: {  	[sflag:s1] =	ssyncset.done $0x0  }
0x1a6: {  	s14 =	sadd.s32 $0xFFFFFFFF, s14;
	[sflag:s1] =	ssyncadd.s32 $0xFFFF8000  }
0x1a7: {  	_ =	sfence.sel $0x180000  }
0x1a8: {  	[bflag:$0x0] =	sbarrier.arrive $0xFFFF  }
0x1a9: {  	_ =	strace $0x90000047  }
0x1aa: {  	s0 =	stileid.u32;
	[bflag:$0x2] =	sbarrier.arrive $0xFFFF  }
0x1ab: {  	p0 =	sne.s32 s0, $0x0;
	s0 =	rddreg [dreg:$0x3]  }
0x1ac: {  	s0 =	sadd.s32 @!p0 $0x100000, s0  }
0x1ad: {  	[sflag:s0] =	ssyncadd.tile.s32 @!p0 $0x1;
	_ =	shalt  }
.Lfunc_end2:
_tile_overlayer_lowered:
.L_overlay_start_2:
0x1ae: {  	(tag) =	ssettag $0x2  }
0x1af: {  	s0 =	rddreg [dreg:$0x0];
	s2 =	stileid.u32  }
0x1b0: {  	s1 =	rddreg [dreg:$0x1];
	p0 =	sne.s32 s2, $0x0  }
0x1b1: {  	s3 =	rddreg [dreg:$0x2];
	[bflag:$0x3] =	sbarrier.arrive $0xFFFF;
	s2 =	simm.s32 @!p0 $0x1C05  }
0x1b2: {  	[timem:s3], [sflag:s2] =	dma.local @!p0 [hbm:s0], s1  }
0x1b3: {  	s0 =	simm.s32 @!p0 $0x5  }
0x1b4: {  	_ =	swait.ge @!p0 [sflag:s0], s1  }
0x1b5: {  	s1 =	ssub.s32 @!p0 $0x0, s1;
	[sflag:s0] =	ssyncset.done @!p0 $0x0  }
0x1b6: {  	[sflag:s0] =	ssyncadd.s32 @!p0 s1  }
0x1b7: {  	[bflag:$0x3] =	sbarrier.arrive $0xFFFF  }
0x1b8: {  	_ =	shalt  }

</sc_bundles>
